<compile_context>
chip_gen: v7x
topology: tpu7x:2x2x1
jax: 0.10.2.dev20260603
libtpu: 0.0.44.dev20260713+nightly
codegen_flags: <defaults>
</compile_context>

<pallas_src>
import jax
import jax.numpy as jnp
from jax import lax
from jax.experimental import pallas as pl
from jax.experimental.pallas import tpu as pltpu
from jax.experimental.pallas import tpu_sc as plsc

VOCAB = 1_000_000
DIM = 32
BATCH = 16384
NUM_NEG = 5

NUM_CORES = 2
NUM_SUBCORES = 16
NUM_WORKERS = NUM_CORES * NUM_SUBCORES
BPW = BATCH // NUM_WORKERS
NSLOT = 1 + NUM_NEG

RB = 32768
PACK = 8
WPR = DIM // 2


def _repack_body(e_ref, o_ref, eo_ref, oo_ref):
    SUB = RB // PACK
    HALF = DIM // 2

    def bf_bits(v):
        return (v + 0x7FFF + ((v >> 16) & 1)) >> 16

    for src, dst in ((e_ref, eo_ref), (o_ref, oo_ref)):
        x = src[...]
        xl = x[0:HALF, :]
        xh = x[HALF:DIM, :]
        ml = jnp.concatenate(
            [xl[:, a * SUB:(a + 1) * SUB] for a in range(PACK)], axis=0)
        mh = jnp.concatenate(
            [xh[:, a * SUB:(a + 1) * SUB] for a in range(PACK)], axis=0)
        yl = jax.lax.bitcast_convert_type(ml.T, jnp.int32)
        yh = jax.lax.bitcast_convert_type(mh.T, jnp.int32)
        dst[...] = (bf_bits(yh) << 16) | (bf_bits(yl) & 0xFFFF)


def _sc_body(inp_idx_hbm, tgt_idx_hbm, neg_idx_hbm, emb_hbm, outw_hbm,
             logits_hbm,
             idx_i_v, idx_t_v, idx_n_v, inp_rows, tgt_rows, neg_rows,
             logit_v, sem, sem_n):
    wid = lax.axis_index("s") * NUM_CORES + lax.axis_index("c")

    stage = [
        pltpu.make_async_copy(inp_idx_hbm.at[pl.ds(wid * BPW, BPW)],
                              idx_i_v, sem),
        pltpu.make_async_copy(tgt_idx_hbm.at[pl.ds(wid * BPW, BPW)],
                              idx_t_v, sem),
        pltpu.make_async_copy(
            neg_idx_hbm.at[pl.ds(wid * BPW * NUM_NEG, BPW * NUM_NEG)],
            idx_n_v, sem),
    ]
    for c in stage:
        c.start()
    for c in stage:
        c.wait()

    def remap(buf, n):
        def step(i, carry):
            r = buf[pl.ds(i * 16, 16)]
            m = (((r >> 15) << 15) | ((r & 4095) << 3) | ((r >> 12) & 7))
            buf[pl.ds(i * 16, 16)] = m
            return carry
        lax.fori_loop(0, n // 16, step, 0)

    copies = []
    for src, idx_v, dst, n, sm in ((emb_hbm, idx_i_v, inp_rows, BPW, sem),
                                   (outw_hbm, idx_t_v, tgt_rows, BPW, sem),
                                   (outw_hbm, idx_n_v, neg_rows,
                                    BPW * NUM_NEG, sem_n)):
        remap(idx_v, n)
        c = pltpu.make_async_copy(src.at[idx_v], dst, sm)
        c.start()
        copies.append(c)
    copies[0].wait()
    copies[1].wait()

    lane = lax.iota(jnp.int32, 16)
    zeros = jnp.zeros((16,), jnp.float32)

    def fetch2(buf, rows, pcol):
        wv = plsc.load_gather(buf, [rows, pcol])
        return plsc.unpack(plsc.bitcast(wv, jnp.bfloat16),
                           format=plsc.PackFormat.INTERLEAVED,
                           preferred_element_type=jnp.float32)

    def pos_body(g, carry):
        b0 = g * 16
        rows16 = b0 + lane

        def d_body(p4, acc):
            for u in range(4):
                pcol = jnp.zeros((16,), jnp.int32) + (p4 * 4 + u)
                ie, io = fetch2(inp_rows, rows16, pcol)
                te, to = fetch2(tgt_rows, rows16, pcol)
                acc = acc - ie * te - io * to
            return acc

        acc = lax.fori_loop(0, WPR // 4, d_body, zeros)
        logit_v[pl.ds(b0, 16)] = acc
        return carry

    lax.fori_loop(0, BPW // 16, pos_body, 0)
    copies[2].wait()

    def neg_body(g, carry):
        b0 = g * 16
        rows16 = b0 + lane
        rows_neg = rows16 * NUM_NEG

        def d_body(p4, accs):
            new = list(accs)
            for u in range(4):
                pcol = jnp.zeros((16,), jnp.int32) + (p4 * 4 + u)
                ie, io = fetch2(inp_rows, rows16, pcol)
                for k in range(NUM_NEG):
                    ne, no = fetch2(neg_rows, rows_neg + k, pcol)
                    new[k] = new[k] + ie * ne + io * no
            return tuple(new)

        accs = lax.fori_loop(0, WPR // 4, d_body, (zeros,) * NUM_NEG)
        for k in range(NUM_NEG):
            logit_v[pl.ds((k + 1) * BPW + b0, 16)] = accs[k]
        return carry

    lax.fori_loop(0, BPW // 16, neg_body, 0)

    pltpu.sync_copy(logit_v, logits_hbm.at[pl.ds(wid * NSLOT * BPW,
                                                 NSLOT * BPW)])


def _tc_body(x_ref, o_ref):
    x = x_ref[...]
    o_ref[0, 0] = jnp.sum(jax.nn.softplus(x)) / BATCH


def kernel(input_idx, target_idx, neg_idx, emb_table, out_table):
    inp1d = input_idx.astype(jnp.int32).reshape(BATCH)
    tgt1d = target_idx.astype(jnp.int32).reshape(BATCH)
    neg1d = neg_idx.astype(jnp.int32).reshape(BATCH * NUM_NEG)

    n_blocks = (VOCAB + RB - 1) // RB
    q_rows = n_blocks * RB // PACK
    vocab_pad = q_rows * 128 // WPR
    emb_rm, out_rm = pl.pallas_call(
        _repack_body,
        grid=(n_blocks,),
        in_specs=[
            pl.BlockSpec((DIM, RB), lambda i: (0, i)),
            pl.BlockSpec((DIM, RB), lambda i: (0, i)),
        ],
        out_specs=[
            pl.BlockSpec((RB // PACK, 128), lambda i: (i, 0)),
            pl.BlockSpec((RB // PACK, 128), lambda i: (i, 0)),
        ],
        out_shape=[
            jax.ShapeDtypeStruct((q_rows, 128), jnp.int32),
            jax.ShapeDtypeStruct((q_rows, 128), jnp.int32),
        ],
    )(emb_table.T, out_table.T)
    emb_rm = emb_rm.reshape(vocab_pad, WPR)
    out_rm = out_rm.reshape(vocab_pad, WPR)

    mesh = plsc.VectorSubcoreMesh(core_axis_name="c", subcore_axis_name="s",
                                  num_cores=NUM_CORES,
                                  num_subcores=NUM_SUBCORES)
    sc_fn = pl.kernel(
        _sc_body,
        out_type=jax.ShapeDtypeStruct((NUM_WORKERS * NSLOT * BPW,),
                                      jnp.float32),
        mesh=mesh,
        compiler_params=pltpu.CompilerParams(needs_layout_passes=False,
                                             use_tc_tiling_on_sc=False),
        scratch_types=[
            pltpu.VMEM((BPW,), jnp.int32),
            pltpu.VMEM((BPW,), jnp.int32),
            pltpu.VMEM((BPW * NUM_NEG,), jnp.int32),
            pltpu.VMEM((BPW, WPR), jnp.int32),
            pltpu.VMEM((BPW, WPR), jnp.int32),
            pltpu.VMEM((BPW * NUM_NEG, WPR), jnp.int32),
            pltpu.VMEM((NSLOT * BPW,), jnp.float32),
            pltpu.SemaphoreType.DMA,
            pltpu.SemaphoreType.DMA,
        ],
    )
    logits = sc_fn(inp1d, tgt1d, neg1d, emb_rm, out_rm)

    flat = logits.reshape(NUM_WORKERS * NSLOT * BPW // 128, 128)
    loss = pl.pallas_call(
        _tc_body,
        out_shape=jax.ShapeDtypeStruct((1, 1), jnp.float32),
        out_specs=pl.BlockSpec(memory_space=pltpu.SMEM),
    )(flat)
    return loss[0, 0]

# --- scband reference (transcript-rebuilt; emitter-appended) ---
"""Pipeline reference for scband-skip-gram-20323785245205 (READ-ONLY COPY).

The authoritative reference and input builder live on the scoring server;
editing this copy changes nothing except your own understanding.
"""

import jax, jax.numpy as jnp
import numpy as np

VOCAB = 1000000
DIM = 32
BATCH = 16384
NUM_NEG = 5


def setup_inputs(seed: int = 0) -> dict:
    key = jax.random.key(seed)
    k1, k2, k3, k4, k5 = jax.random.split(key, 5)
    input_idx = jax.random.randint(k1, (BATCH,), 0, VOCAB)
    target_idx = jax.random.randint(k2, (BATCH,), 0, VOCAB)
    # negative samples (deterministic stand-in for frequency-based sampling
    # done inside SigmoidBCELoss using word2frequency)
    neg_idx = jax.random.randint(k3, (BATCH, NUM_NEG), 0, VOCAB)
    # learned parameters: input embedding table and output weight table
    emb_table = jax.random.normal(k4, (VOCAB, DIM), dtype=jnp.float32) * 0.02
    out_table = jax.random.normal(k5, (VOCAB, DIM), dtype=jnp.float32) * 0.02
    return {
        "input_idx": input_idx,
        "target_idx": target_idx,
        "neg_idx": neg_idx,
        "emb_table": emb_table,
        "out_table": out_table,
    }


def reference(input_idx, target_idx, neg_idx, emb_table, out_table):
    # input_embeddings = self.embeddings(input_idx)
    input_emb = jnp.take(emb_table, input_idx, axis=0)          # [B, D]
    # loss_function gathers target (positive) rows from output_weights
    target_emb = jnp.take(out_table, target_idx, axis=0)        # [B, D]
    # negative-sample rows from output_weights
    neg_emb = jnp.take(out_table, neg_idx, axis=0)              # [B, K, D]
    pos_logits = jnp.sum(input_emb * target_emb, axis=-1)       # [B]
    neg_logits = jnp.einsum("bd,bkd->bk", input_emb, neg_emb)  # [B, K]
    # sigmoid BCE: positives labeled 1, negatives labeled 0
    # -log(sigmoid(pos)) = softplus(-pos); -log(1 - sigmoid(neg)) = softplus(neg)
    per_example = jax.nn.softplus(-pos_logits) + jnp.sum(jax.nn.softplus(neg_logits), axis=-1)
    loss = jnp.mean(per_example)
    return loss

if __name__ == "__main__":
    import jax
    _d = setup_inputs()
    print(jax.jit(kernel)(*tuple(_d.values())))

</pallas_src>

<mosaic_0001>
#map = affine_map<(d0, d1) -> (0)>
#map1 = affine_map<(d0, d1) -> (0, 0)>
module attributes {stable_mosaic.version = 14 : i64} {
  func.func @_sc_body(%arg0: i32, %arg1: i32, %arg2: memref<16384xi32, #tpu.memory_space<hbm>>, %arg3: memref<16384xi32, #tpu.memory_space<hbm>>, %arg4: memref<81920xi32, #tpu.memory_space<hbm>>, %arg5: memref<1015808x16xi32, #tpu.memory_space<hbm>>, %arg6: memref<1015808x16xi32, #tpu.memory_space<hbm>>, %arg7: memref<98304xf32, #tpu.memory_space<hbm>>, %arg8: memref<512xi32, #tpu.memory_space<vmem>>, %arg9: memref<512xi32, #tpu.memory_space<vmem>>, %arg10: memref<2560xi32, #tpu.memory_space<vmem>>, %arg11: memref<512x16xi32, #tpu.memory_space<vmem>>, %arg12: memref<512x16xi32, #tpu.memory_space<vmem>>, %arg13: memref<2560x16xi32, #tpu.memory_space<vmem>>, %arg14: memref<3072xf32, #tpu.memory_space<vmem>>, %arg15: memref<!tpu.dma_semaphore, #tpu.memory_space<semaphore_mem>>, %arg16: memref<!tpu.dma_semaphore, #tpu.memory_space<semaphore_mem>>) attributes {dimension_semantics = [#tpu.dimension_semantics<core_parallel>, #tpu.dimension_semantics<subcore_parallel>], iteration_bounds = array<i64: 2, 16>, scalar_prefetch = 0 : i64, scratch_operands = 9 : i64, tpu.core_type = #tpu.core_type<sc_vector_subcore>, window_params = [{transform_indices = #map}, {transform_indices = #map}, {transform_indices = #map}, {transform_indices = #map1}, {transform_indices = #map1}, {transform_indices = #map}]} {
    %mul3A = arith.constant 2 : i32
    %mul3A_0 = arith.muli %arg1, %mul3A : i32
    %add3A = arith.addi %mul3A_0, %arg0 : i32
    %mul3A_1 = arith.constant 512 : i32
    %mul3A_2 = arith.muli %add3A, %mul3A_1 : i32
    %mul3A_3 = arith.constant 512 : i32
    %mul3A_4 = arith.muli %add3A, %mul3A_3 : i32
    %mul3A_5 = arith.constant 512 : i32
    %mul3A_6 = arith.muli %add3A, %mul3A_5 : i32
    %mul3A_7 = arith.constant 5 : i32
    %mul3A_8 = arith.muli %mul3A_6, %mul3A_7 : i32
    %dma_start3A = tpu.memref_slice %arg2[%mul3A_2] : memref<16384xi32, #tpu.memory_space<hbm>> -> memref<512xi32, #tpu.memory_space<hbm>>
    %dma_start3A_9 = tpu.memref_slice %arg2[%mul3A_2] : memref<16384xi32, #tpu.memory_space<hbm>> -> memref<512xi32, #tpu.memory_space<hbm>>
    tpu.enqueue_dma source(%dma_start3A_9 : memref<512xi32, #tpu.memory_space<hbm>>) target(%arg8 : memref<512xi32, #tpu.memory_space<vmem>>) target_semaphore(%arg15 : memref<!tpu.dma_semaphore, #tpu.memory_space<semaphore_mem>>)
    %dma_start3A_10 = tpu.memref_slice %arg3[%mul3A_4] : memref<16384xi32, #tpu.memory_space<hbm>> -> memref<512xi32, #tpu.memory_space<hbm>>
    %dma_start3A_11 = tpu.memref_slice %arg3[%mul3A_4] : memref<16384xi32, #tpu.memory_space<hbm>> -> memref<512xi32, #tpu.memory_space<hbm>>
    tpu.enqueue_dma source(%dma_start3A_11 : memref<512xi32, #tpu.memory_space<hbm>>) target(%arg9 : memref<512xi32, #tpu.memory_space<vmem>>) target_semaphore(%arg15 : memref<!tpu.dma_semaphore, #tpu.memory_space<semaphore_mem>>)
    %dma_start3A_12 = tpu.memref_slice %arg4[%mul3A_8] : memref<81920xi32, #tpu.memory_space<hbm>> -> memref<2560xi32, #tpu.memory_space<hbm>>
    %dma_start3A_13 = tpu.memref_slice %arg4[%mul3A_8] : memref<81920xi32, #tpu.memory_space<hbm>> -> memref<2560xi32, #tpu.memory_space<hbm>>
    tpu.enqueue_dma source(%dma_start3A_13 : memref<2560xi32, #tpu.memory_space<hbm>>) target(%arg10 : memref<2560xi32, #tpu.memory_space<vmem>>) target_semaphore(%arg15 : memref<!tpu.dma_semaphore, #tpu.memory_space<semaphore_mem>>)
    %dma_wait3A = tpu.memref_slice %arg2[%mul3A_2] : memref<16384xi32, #tpu.memory_space<hbm>> -> memref<512xi32, #tpu.memory_space<hbm>>
    %dma_wait3A_14 = tpu.memref_slice %arg2[%mul3A_2] : memref<16384xi32, #tpu.memory_space<hbm>> -> memref<512xi32, #tpu.memory_space<hbm>>
    tpu.wait_dma2 semaphore(%arg15 : memref<!tpu.dma_semaphore, #tpu.memory_space<semaphore_mem>>) src(%dma_wait3A_14 : memref<512xi32, #tpu.memory_space<hbm>>) dst(%arg8 : memref<512xi32, #tpu.memory_space<vmem>>)
    %dma_wait3A_15 = tpu.memref_slice %arg3[%mul3A_4] : memref<16384xi32, #tpu.memory_space<hbm>> -> memref<512xi32, #tpu.memory_space<hbm>>
    %dma_wait3A_16 = tpu.memref_slice %arg3[%mul3A_4] : memref<16384xi32, #tpu.memory_space<hbm>> -> memref<512xi32, #tpu.memory_space<hbm>>
    tpu.wait_dma2 semaphore(%arg15 : memref<!tpu.dma_semaphore, #tpu.memory_space<semaphore_mem>>) src(%dma_wait3A_16 : memref<512xi32, #tpu.memory_space<hbm>>) dst(%arg9 : memref<512xi32, #tpu.memory_space<vmem>>)
    %dma_wait3A_17 = tpu.memref_slice %arg4[%mul3A_8] : memref<81920xi32, #tpu.memory_space<hbm>> -> memref<2560xi32, #tpu.memory_space<hbm>>
    %dma_wait3A_18 = tpu.memref_slice %arg4[%mul3A_8] : memref<81920xi32, #tpu.memory_space<hbm>> -> memref<2560xi32, #tpu.memory_space<hbm>>
    tpu.wait_dma2 semaphore(%arg15 : memref<!tpu.dma_semaphore, #tpu.memory_space<semaphore_mem>>) src(%dma_wait3A_18 : memref<2560xi32, #tpu.memory_space<hbm>>) dst(%arg10 : memref<2560xi32, #tpu.memory_space<vmem>>)
    %scan3A = arith.constant 0 : i32
    %scan3A_19 = arith.constant 0 : i32
    %scan3A_20 = arith.constant 32 : i32
    %scan3A_21 = arith.addi %scan3A_19, %scan3A_20 : i32
    %scan3A_22 = arith.constant 1 : i32
    scf.for %scan3A_71 = %scan3A_19 to %scan3A_21 step %scan3A_22  : i32 {
      %mul3A_72 = arith.constant 16 : i32
      %mul3A_73 = arith.muli %scan3A_71, %mul3A_72 : i32
      %get3A = arith.index_cast %mul3A_73 : i32 to index
      %get3A_74 = tpu.vector_load %arg8[%get3A] {strides = array<i32>} : memref<512xi32, #tpu.memory_space<vmem>>, vector<16xi32>,
      %shift_right_arithmetic3A = arith.constant 15 : i32
      %shift_right_arithmetic3A_75 = vector.broadcast %shift_right_arithmetic3A : i32 to vector<16xi32>
      %shift_right_arithmetic3A_76 = arith.shrsi %get3A_74, %shift_right_arithmetic3A_75 : vector<16xi32>
      %shift_left3A = arith.constant 15 : i32
      %shift_left3A_77 = vector.broadcast %shift_left3A : i32 to vector<16xi32>
      %shift_left3A_78 = arith.shli %shift_right_arithmetic3A_76, %shift_left3A_77 : vector<16xi32>
      %and3A = arith.constant 4095 : i32
      %and3A_79 = vector.broadcast %and3A : i32 to vector<16xi32>
      %and3A_80 = arith.andi %get3A_74, %and3A_79 : vector<16xi32>
      %shift_left3A_81 = arith.constant 3 : i32
      %shift_left3A_82 = vector.broadcast %shift_left3A_81 : i32 to vector<16xi32>
      %shift_left3A_83 = arith.shli %and3A_80, %shift_left3A_82 : vector<16xi32>
      %or3A = arith.ori %shift_left3A_78, %shift_left3A_83 : vector<16xi32>
      %shift_right_arithmetic3A_84 = arith.constant 12 : i32
      %shift_right_arithmetic3A_85 = vector.broadcast %shift_right_arithmetic3A_84 : i32 to vector<16xi32>
      %shift_right_arithmetic3A_86 = arith.shrsi %get3A_74, %shift_right_arithmetic3A_85 : vector<16xi32>
      %and3A_87 = arith.constant 7 : i32
      %and3A_88 = vector.broadcast %and3A_87 : i32 to vector<16xi32>
      %and3A_89 = arith.andi %shift_right_arithmetic3A_86, %and3A_88 : vector<16xi32>
      %or3A_90 = arith.ori %or3A, %and3A_89 : vector<16xi32>
      %mul3A_91 = arith.constant 16 : i32
      %mul3A_92 = arith.muli %scan3A_71, %mul3A_91 : i32
      %swap3A = arith.index_cast %mul3A_92 : i32 to index
      %swap3A_93 = tpu.vector_load %arg8[%swap3A] {strides = array<i32>} : memref<512xi32, #tpu.memory_space<vmem>>, vector<16xi32>,
      tpu.vector_store %arg8[%swap3A], %or3A_90 {strides = array<i32>} : memref<512xi32, #tpu.memory_space<vmem>>, vector<16xi32>,
    }
    %scan3A_23 = arith.constant 32 : i32
    %dma_start3A_24 = arith.constant 0 : i32
    %dma_start3A_25 = arith.constant 0 : i32
    %dma_start3A_26 = tpu.memref_slice %arg5[%dma_start3A_24, %dma_start3A_25] : memref<1015808x16xi32, #tpu.memory_space<hbm>> -> memref<1015808x16xi32, #tpu.memory_space<hbm>>
    tpu.enqueue_indirect_dma source(%dma_start3A_26 : memref<1015808x16xi32, #tpu.memory_space<hbm>>) target(%arg11 : memref<512x16xi32, #tpu.memory_space<vmem>>) offsets(%arg8 : memref<512xi32, #tpu.memory_space<vmem>>) semaphore(%arg15 : memref<!tpu.dma_semaphore, #tpu.memory_space<semaphore_mem>>)
    %scan3A_27 = arith.constant 0 : i32
    %scan3A_28 = arith.constant 0 : i32
    %scan3A_29 = arith.constant 32 : i32
    %scan3A_30 = arith.addi %scan3A_28, %scan3A_29 : i32
    %scan3A_31 = arith.constant 1 : i32
    scf.for %scan3A_71 = %scan3A_28 to %scan3A_30 step %scan3A_31  : i32 {
      %mul3A_72 = arith.constant 16 : i32
      %mul3A_73 = arith.muli %scan3A_71, %mul3A_72 : i32
      %get3A = arith.index_cast %mul3A_73 : i32 to index
      %get3A_74 = tpu.vector_load %arg9[%get3A] {strides = array<i32>} : memref<512xi32, #tpu.memory_space<vmem>>, vector<16xi32>,
      %shift_right_arithmetic3A = arith.constant 15 : i32
      %shift_right_arithmetic3A_75 = vector.broadcast %shift_right_arithmetic3A : i32 to vector<16xi32>
      %shift_right_arithmetic3A_76 = arith.shrsi %get3A_74, %shift_right_arithmetic3A_75 : vector<16xi32>
      %shift_left3A = arith.constant 15 : i32
      %shift_left3A_77 = vector.broadcast %shift_left3A : i32 to vector<16xi32>
      %shift_left3A_78 = arith.shli %shift_right_arithmetic3A_76, %shift_left3A_77 : vector<16xi32>
      %and3A = arith.constant 4095 : i32
      %and3A_79 = vector.broadcast %and3A : i32 to vector<16xi32>
      %and3A_80 = arith.andi %get3A_74, %and3A_79 : vector<16xi32>
      %shift_left3A_81 = arith.constant 3 : i32
      %shift_left3A_82 = vector.broadcast %shift_left3A_81 : i32 to vector<16xi32>
      %shift_left3A_83 = arith.shli %and3A_80, %shift_left3A_82 : vector<16xi32>
      %or3A = arith.ori %shift_left3A_78, %shift_left3A_83 : vector<16xi32>
      %shift_right_arithmetic3A_84 = arith.constant 12 : i32
      %shift_right_arithmetic3A_85 = vector.broadcast %shift_right_arithmetic3A_84 : i32 to vector<16xi32>
      %shift_right_arithmetic3A_86 = arith.shrsi %get3A_74, %shift_right_arithmetic3A_85 : vector<16xi32>
      %and3A_87 = arith.constant 7 : i32
      %and3A_88 = vector.broadcast %and3A_87 : i32 to vector<16xi32>
      %and3A_89 = arith.andi %shift_right_arithmetic3A_86, %and3A_88 : vector<16xi32>
      %or3A_90 = arith.ori %or3A, %and3A_89 : vector<16xi32>
      %mul3A_91 = arith.constant 16 : i32
      %mul3A_92 = arith.muli %scan3A_71, %mul3A_91 : i32
      %swap3A = arith.index_cast %mul3A_92 : i32 to index
      %swap3A_93 = tpu.vector_load %arg9[%swap3A] {strides = array<i32>} : memref<512xi32, #tpu.memory_space<vmem>>, vector<16xi32>,
      tpu.vector_store %arg9[%swap3A], %or3A_90 {strides = array<i32>} : memref<512xi32, #tpu.memory_space<vmem>>, vector<16xi32>,
    }
    %scan3A_32 = arith.constant 32 : i32
    %dma_start3A_33 = arith.constant 0 : i32
    %dma_start3A_34 = arith.constant 0 : i32
    %dma_start3A_35 = tpu.memref_slice %arg6[%dma_start3A_33, %dma_start3A_34] : memref<1015808x16xi32, #tpu.memory_space<hbm>> -> memref<1015808x16xi32, #tpu.memory_space<hbm>>
    tpu.enqueue_indirect_dma source(%dma_start3A_35 : memref<1015808x16xi32, #tpu.memory_space<hbm>>) target(%arg12 : memref<512x16xi32, #tpu.memory_space<vmem>>) offsets(%arg9 : memref<512xi32, #tpu.memory_space<vmem>>) semaphore(%arg15 : memref<!tpu.dma_semaphore, #tpu.memory_space<semaphore_mem>>)
    %scan3A_36 = arith.constant 0 : i32
    %scan3A_37 = arith.constant 0 : i32
    %scan3A_38 = arith.constant 160 : i32
    %scan3A_39 = arith.addi %scan3A_37, %scan3A_38 : i32
    %scan3A_40 = arith.constant 1 : i32
    scf.for %scan3A_71 = %scan3A_37 to %scan3A_39 step %scan3A_40  : i32 {
      %mul3A_72 = arith.constant 16 : i32
      %mul3A_73 = arith.muli %scan3A_71, %mul3A_72 : i32
      %get3A = arith.index_cast %mul3A_73 : i32 to index
      %get3A_74 = tpu.vector_load %arg10[%get3A] {strides = array<i32>} : memref<2560xi32, #tpu.memory_space<vmem>>, vector<16xi32>,
      %shift_right_arithmetic3A = arith.constant 15 : i32
      %shift_right_arithmetic3A_75 = vector.broadcast %shift_right_arithmetic3A : i32 to vector<16xi32>
      %shift_right_arithmetic3A_76 = arith.shrsi %get3A_74, %shift_right_arithmetic3A_75 : vector<16xi32>
      %shift_left3A = arith.constant 15 : i32
      %shift_left3A_77 = vector.broadcast %shift_left3A : i32 to vector<16xi32>
      %shift_left3A_78 = arith.shli %shift_right_arithmetic3A_76, %shift_left3A_77 : vector<16xi32>
      %and3A = arith.constant 4095 : i32
      %and3A_79 = vector.broadcast %and3A : i32 to vector<16xi32>
      %and3A_80 = arith.andi %get3A_74, %and3A_79 : vector<16xi32>
      %shift_left3A_81 = arith.constant 3 : i32
      %shift_left3A_82 = vector.broadcast %shift_left3A_81 : i32 to vector<16xi32>
      %shift_left3A_83 = arith.shli %and3A_80, %shift_left3A_82 : vector<16xi32>
      %or3A = arith.ori %shift_left3A_78, %shift_left3A_83 : vector<16xi32>
      %shift_right_arithmetic3A_84 = arith.constant 12 : i32
      %shift_right_arithmetic3A_85 = vector.broadcast %shift_right_arithmetic3A_84 : i32 to vector<16xi32>
      %shift_right_arithmetic3A_86 = arith.shrsi %get3A_74, %shift_right_arithmetic3A_85 : vector<16xi32>
      %and3A_87 = arith.constant 7 : i32
      %and3A_88 = vector.broadcast %and3A_87 : i32 to vector<16xi32>
      %and3A_89 = arith.andi %shift_right_arithmetic3A_86, %and3A_88 : vector<16xi32>
      %or3A_90 = arith.ori %or3A, %and3A_89 : vector<16xi32>
      %mul3A_91 = arith.constant 16 : i32
      %mul3A_92 = arith.muli %scan3A_71, %mul3A_91 : i32
      %swap3A = arith.index_cast %mul3A_92 : i32 to index
      %swap3A_93 = tpu.vector_load %arg10[%swap3A] {strides = array<i32>} : memref<2560xi32, #tpu.memory_space<vmem>>, vector<16xi32>,
      tpu.vector_store %arg10[%swap3A], %or3A_90 {strides = array<i32>} : memref<2560xi32, #tpu.memory_space<vmem>>, vector<16xi32>,
    }
    %scan3A_41 = arith.constant 160 : i32
    %dma_start3A_42 = arith.constant 0 : i32
    %dma_start3A_43 = arith.constant 0 : i32
    %dma_start3A_44 = tpu.memref_slice %arg6[%dma_start3A_42, %dma_start3A_43] : memref<1015808x16xi32, #tpu.memory_space<hbm>> -> memref<1015808x16xi32, #tpu.memory_space<hbm>>
    tpu.enqueue_indirect_dma source(%dma_start3A_44 : memref<1015808x16xi32, #tpu.memory_space<hbm>>) target(%arg13 : memref<2560x16xi32, #tpu.memory_space<vmem>>) offsets(%arg10 : memref<2560xi32, #tpu.memory_space<vmem>>) semaphore(%arg16 : memref<!tpu.dma_semaphore, #tpu.memory_space<semaphore_mem>>)
    %dma_wait3A_45 = arith.constant 0 : i32
    %dma_wait3A_46 = arith.constant 0 : i32
    %dma_wait3A_47 = tpu.memref_slice %arg5[%dma_wait3A_45, %dma_wait3A_46] : memref<1015808x16xi32, #tpu.memory_space<hbm>> -> memref<1015808x16xi32, #tpu.memory_space<hbm>>
    tpu.wait_indirect_dma semaphore(%arg15 : memref<!tpu.dma_semaphore, #tpu.memory_space<semaphore_mem>>) src(%dma_wait3A_47 : memref<1015808x16xi32, #tpu.memory_space<hbm>>) dst(%arg11 : memref<512x16xi32, #tpu.memory_space<vmem>>)
    %dma_wait3A_48 = arith.constant 0 : i32
    %dma_wait3A_49 = arith.constant 0 : i32
    %dma_wait3A_50 = tpu.memref_slice %arg6[%dma_wait3A_48, %dma_wait3A_49] : memref<1015808x16xi32, #tpu.memory_space<hbm>> -> memref<1015808x16xi32, #tpu.memory_space<hbm>>
    tpu.wait_indirect_dma semaphore(%arg15 : memref<!tpu.dma_semaphore, #tpu.memory_space<semaphore_mem>>) src(%dma_wait3A_50 : memref<1015808x16xi32, #tpu.memory_space<hbm>>) dst(%arg12 : memref<512x16xi32, #tpu.memory_space<vmem>>)
    %iota3A = tpu.iota {dimensions = array<i32: 0>} : vector<16xi32>
    %broadcast_in_dim3A = arith.constant 0.000000e+00 : f32
    %broadcast_in_dim3A_51 = vector.broadcast %broadcast_in_dim3A : f32 to vector<16xf32>
    %scan3A_52 = arith.constant 0 : i32
    %scan3A_53 = arith.constant 0 : i32
    %scan3A_54 = arith.constant 32 : i32
    %scan3A_55 = arith.addi %scan3A_53, %scan3A_54 : i32
    %scan3A_56 = arith.constant 1 : i32
    scf.for %scan3A_71 = %scan3A_53 to %scan3A_55 step %scan3A_56  : i32 {
      %mul3A_72 = arith.constant 16 : i32
      %mul3A_73 = arith.muli %scan3A_71, %mul3A_72 : i32
      %add3A_74 = vector.broadcast %mul3A_73 : i32 to vector<16xi32>
      %add3A_75 = arith.addi %add3A_74, %iota3A : vector<16xi32>
      %scan3A_76 = arith.constant 0 : i32
      %scan3A_77 = arith.constant 4 : i32
      %scan3A_78 = arith.addi %scan3A_76, %scan3A_77 : i32
      %scan3A_79 = arith.constant 1 : i32
      %scan3A_80 = scf.for %scan3A_83 = %scan3A_76 to %scan3A_78 step %scan3A_79 iter_args(%scan3A_84 = %broadcast_in_dim3A_51) -> (vector<16xf32>)  : i32 {
        %broadcast_in_dim3A_85 = arith.constant 0 : i32
        %broadcast_in_dim3A_86 = vector.broadcast %broadcast_in_dim3A_85 : i32 to vector<16xi32>
        %mul3A_87 = arith.constant 4 : i32
        %mul3A_88 = arith.muli %scan3A_83, %mul3A_87 : i32
        %add3A_89 = arith.constant 0 : i32
        %add3A_90 = arith.addi %mul3A_88, %add3A_89 : i32
        %add3A_91 = vector.broadcast %add3A_90 : i32 to vector<16xi32>
        %add3A_92 = arith.addi %broadcast_in_dim3A_86, %add3A_91 : vector<16xi32>
        %gather3A = tpu.vector_load_idx %arg11[%add3A_75, %add3A_92] : memref<512x16xi32, #tpu.memory_space<vmem>>[vector<16xi32>, vector<16xi32>], vector<16xi32>,
        %bitcast3A = vector.bitcast %gather3A : vector<16xi32> to vector<32xbf16>
        %unpack3A = tpu.unpack_subelements %bitcast3A, 0 {pack_format = #tpu.pack_format<interleaved>} : vector<32xbf16> -> vector<16xf32>
        %unpack3A_93 = tpu.unpack_subelements %bitcast3A, 1 {pack_format = #tpu.pack_format<interleaved>} : vector<32xbf16> -> vector<16xf32>
        %gather3A_94 = tpu.vector_load_idx %arg12[%add3A_75, %add3A_92] : memref<512x16xi32, #tpu.memory_space<vmem>>[vector<16xi32>, vector<16xi32>], vector<16xi32>,
        %bitcast3A_95 = vector.bitcast %gather3A_94 : vector<16xi32> to vector<32xbf16>
        %unpack3A_96 = tpu.unpack_subelements %bitcast3A_95, 0 {pack_format = #tpu.pack_format<interleaved>} : vector<32xbf16> -> vector<16xf32>
        %unpack3A_97 = tpu.unpack_subelements %bitcast3A_95, 1 {pack_format = #tpu.pack_format<interleaved>} : vector<32xbf16> -> vector<16xf32>
        %mul3A_98 = arith.mulf %unpack3A, %unpack3A_96 : vector<16xf32>
        %sub3A = arith.subf %scan3A_84, %mul3A_98 : vector<16xf32>
        %mul3A_99 = arith.mulf %unpack3A_93, %unpack3A_97 : vector<16xf32>
        %sub3A_100 = arith.subf %sub3A, %mul3A_99 : vector<16xf32>
        %broadcast_in_dim3A_101 = arith.constant 0 : i32
        %broadcast_in_dim3A_102 = vector.broadcast %broadcast_in_dim3A_101 : i32 to vector<16xi32>
        %mul3A_103 = arith.constant 4 : i32
        %mul3A_104 = arith.muli %scan3A_83, %mul3A_103 : i32
        %add3A_105 = arith.constant 1 : i32
        %add3A_106 = arith.addi %mul3A_104, %add3A_105 : i32
        %add3A_107 = vector.broadcast %add3A_106 : i32 to vector<16xi32>
        %add3A_108 = arith.addi %broadcast_in_dim3A_102, %add3A_107 : vector<16xi32>
        %gather3A_109 = tpu.vector_load_idx %arg11[%add3A_75, %add3A_108] : memref<512x16xi32, #tpu.memory_space<vmem>>[vector<16xi32>, vector<16xi32>], vector<16xi32>,
        %bitcast3A_110 = vector.bitcast %gather3A_109 : vector<16xi32> to vector<32xbf16>
        %unpack3A_111 = tpu.unpack_subelements %bitcast3A_110, 0 {pack_format = #tpu.pack_format<interleaved>} : vector<32xbf16> -> vector<16xf32>
        %unpack3A_112 = tpu.unpack_subelements %bitcast3A_110, 1 {pack_format = #tpu.pack_format<interleaved>} : vector<32xbf16> -> vector<16xf32>
        %gather3A_113 = tpu.vector_load_idx %arg12[%add3A_75, %add3A_108] : memref<512x16xi32, #tpu.memory_space<vmem>>[vector<16xi32>, vector<16xi32>], vector<16xi32>,
        %bitcast3A_114 = vector.bitcast %gather3A_113 : vector<16xi32> to vector<32xbf16>
        %unpack3A_115 = tpu.unpack_subelements %bitcast3A_114, 0 {pack_format = #tpu.pack_format<interleaved>} : vector<32xbf16> -> vector<16xf32>
        %unpack3A_116 = tpu.unpack_subelements %bitcast3A_114, 1 {pack_format = #tpu.pack_format<interleaved>} : vector<32xbf16> -> vector<16xf32>
        %mul3A_117 = arith.mulf %unpack3A_111, %unpack3A_115 : vector<16xf32>
        %sub3A_118 = arith.subf %sub3A_100, %mul3A_117 : vector<16xf32>
        %mul3A_119 = arith.mulf %unpack3A_112, %unpack3A_116 : vector<16xf32>
        %sub3A_120 = arith.subf %sub3A_118, %mul3A_119 : vector<16xf32>
        %broadcast_in_dim3A_121 = arith.constant 0 : i32
        %broadcast_in_dim3A_122 = vector.broadcast %broadcast_in_dim3A_121 : i32 to vector<16xi32>
        %mul3A_123 = arith.constant 4 : i32
        %mul3A_124 = arith.muli %scan3A_83, %mul3A_123 : i32
        %add3A_125 = arith.constant 2 : i32
        %add3A_126 = arith.addi %mul3A_124, %add3A_125 : i32
        %add3A_127 = vector.broadcast %add3A_126 : i32 to vector<16xi32>
        %add3A_128 = arith.addi %broadcast_in_dim3A_122, %add3A_127 : vector<16xi32>
        %gather3A_129 = tpu.vector_load_idx %arg11[%add3A_75, %add3A_128] : memref<512x16xi32, #tpu.memory_space<vmem>>[vector<16xi32>, vector<16xi32>], vector<16xi32>,
        %bitcast3A_130 = vector.bitcast %gather3A_129 : vector<16xi32> to vector<32xbf16>
        %unpack3A_131 = tpu.unpack_subelements %bitcast3A_130, 0 {pack_format = #tpu.pack_format<interleaved>} : vector<32xbf16> -> vector<16xf32>
        %unpack3A_132 = tpu.unpack_subelements %bitcast3A_130, 1 {pack_format = #tpu.pack_format<interleaved>} : vector<32xbf16> -> vector<16xf32>
        %gather3A_133 = tpu.vector_load_idx %arg12[%add3A_75, %add3A_128] : memref<512x16xi32, #tpu.memory_space<vmem>>[vector<16xi32>, vector<16xi32>], vector<16xi32>,
        %bitcast3A_134 = vector.bitcast %gather3A_133 : vector<16xi32> to vector<32xbf16>
        %unpack3A_135 = tpu.unpack_subelements %bitcast3A_134, 0 {pack_format = #tpu.pack_format<interleaved>} : vector<32xbf16> -> vector<16xf32>
        %unpack3A_136 = tpu.unpack_subelements %bitcast3A_134, 1 {pack_format = #tpu.pack_format<interleaved>} : vector<32xbf16> -> vector<16xf32>
        %mul3A_137 = arith.mulf %unpack3A_131, %unpack3A_135 : vector<16xf32>
        %sub3A_138 = arith.subf %sub3A_120, %mul3A_137 : vector<16xf32>
        %mul3A_139 = arith.mulf %unpack3A_132, %unpack3A_136 : vector<16xf32>
        %sub3A_140 = arith.subf %sub3A_138, %mul3A_139 : vector<16xf32>
        %broadcast_in_dim3A_141 = arith.constant 0 : i32
        %broadcast_in_dim3A_142 = vector.broadcast %broadcast_in_dim3A_141 : i32 to vector<16xi32>
        %mul3A_143 = arith.constant 4 : i32
        %mul3A_144 = arith.muli %scan3A_83, %mul3A_143 : i32
        %add3A_145 = arith.constant 3 : i32
        %add3A_146 = arith.addi %mul3A_144, %add3A_145 : i32
        %add3A_147 = vector.broadcast %add3A_146 : i32 to vector<16xi32>
        %add3A_148 = arith.addi %broadcast_in_dim3A_142, %add3A_147 : vector<16xi32>
        %gather3A_149 = tpu.vector_load_idx %arg11[%add3A_75, %add3A_148] : memref<512x16xi32, #tpu.memory_space<vmem>>[vector<16xi32>, vector<16xi32>], vector<16xi32>,
        %bitcast3A_150 = vector.bitcast %gather3A_149 : vector<16xi32> to vector<32xbf16>
        %unpack3A_151 = tpu.unpack_subelements %bitcast3A_150, 0 {pack_format = #tpu.pack_format<interleaved>} : vector<32xbf16> -> vector<16xf32>
        %unpack3A_152 = tpu.unpack_subelements %bitcast3A_150, 1 {pack_format = #tpu.pack_format<interleaved>} : vector<32xbf16> -> vector<16xf32>
        %gather3A_153 = tpu.vector_load_idx %arg12[%add3A_75, %add3A_148] : memref<512x16xi32, #tpu.memory_space<vmem>>[vector<16xi32>, vector<16xi32>], vector<16xi32>,
        %bitcast3A_154 = vector.bitcast %gather3A_153 : vector<16xi32> to vector<32xbf16>
        %unpack3A_155 = tpu.unpack_subelements %bitcast3A_154, 0 {pack_format = #tpu.pack_format<interleaved>} : vector<32xbf16> -> vector<16xf32>
        %unpack3A_156 = tpu.unpack_subelements %bitcast3A_154, 1 {pack_format = #tpu.pack_format<interleaved>} : vector<32xbf16> -> vector<16xf32>
        %mul3A_157 = arith.mulf %unpack3A_151, %unpack3A_155 : vector<16xf32>
        %sub3A_158 = arith.subf %sub3A_140, %mul3A_157 : vector<16xf32>
        %mul3A_159 = arith.mulf %unpack3A_152, %unpack3A_156 : vector<16xf32>
        %sub3A_160 = arith.subf %sub3A_158, %mul3A_159 : vector<16xf32>
        scf.yield %sub3A_160 : vector<16xf32>
      }
      %scan3A_81 = arith.constant 4 : i32
      %swap3A = arith.index_cast %mul3A_73 : i32 to index
      %swap3A_82 = tpu.vector_load %arg14[%swap3A] {strides = array<i32>} : memref<3072xf32, #tpu.memory_space<vmem>>, vector<16xf32>,
      tpu.vector_store %arg14[%swap3A], %scan3A_80 {strides = array<i32>} : memref<3072xf32, #tpu.memory_space<vmem>>, vector<16xf32>,
    }
    %scan3A_57 = arith.constant 32 : i32
    %dma_wait3A_58 = arith.constant 0 : i32
    %dma_wait3A_59 = arith.constant 0 : i32
    %dma_wait3A_60 = tpu.memref_slice %arg6[%dma_wait3A_58, %dma_wait3A_59] : memref<1015808x16xi32, #tpu.memory_space<hbm>> -> memref<1015808x16xi32, #tpu.memory_space<hbm>>
    tpu.wait_indirect_dma semaphore(%arg16 : memref<!tpu.dma_semaphore, #tpu.memory_space<semaphore_mem>>) src(%dma_wait3A_60 : memref<1015808x16xi32, #tpu.memory_space<hbm>>) dst(%arg13 : memref<2560x16xi32, #tpu.memory_space<vmem>>)
    %scan3A_61 = arith.constant 0 : i32
    %scan3A_62 = arith.constant 0 : i32
    %scan3A_63 = arith.constant 32 : i32
    %scan3A_64 = arith.addi %scan3A_62, %scan3A_63 : i32
    %scan3A_65 = arith.constant 1 : i32
    scf.for %scan3A_71 = %scan3A_62 to %scan3A_64 step %scan3A_65  : i32 {
      %mul3A_72 = arith.constant 16 : i32
      %mul3A_73 = arith.muli %scan3A_71, %mul3A_72 : i32
      %add3A_74 = vector.broadcast %mul3A_73 : i32 to vector<16xi32>
      %add3A_75 = arith.addi %add3A_74, %iota3A : vector<16xi32>
      %mul3A_76 = arith.constant 5 : i32
      %mul3A_77 = vector.broadcast %mul3A_76 : i32 to vector<16xi32>
      %mul3A_78 = arith.muli %add3A_75, %mul3A_77 : vector<16xi32>
      %scan3A_79 = arith.constant 0 : i32
      %scan3A_80 = arith.constant 4 : i32
      %scan3A_81 = arith.addi %scan3A_79, %scan3A_80 : i32
      %scan3A_82 = arith.constant 1 : i32
      %scan3A_83:5 = scf.for %scan3A_104 = %scan3A_79 to %scan3A_81 step %scan3A_82 iter_args(%scan3A_105 = %broadcast_in_dim3A_51, %scan3A_106 = %broadcast_in_dim3A_51, %scan3A_107 = %broadcast_in_dim3A_51, %scan3A_108 = %broadcast_in_dim3A_51, %scan3A_109 = %broadcast_in_dim3A_51) -> (vector<16xf32>, vector<16xf32>, vector<16xf32>, vector<16xf32>, vector<16xf32>)  : i32 {
        %broadcast_in_dim3A_110 = arith.constant 0 : i32
        %broadcast_in_dim3A_111 = vector.broadcast %broadcast_in_dim3A_110 : i32 to vector<16xi32>
        %mul3A_112 = arith.constant 4 : i32
        %mul3A_113 = arith.muli %scan3A_104, %mul3A_112 : i32
        %add3A_114 = arith.constant 0 : i32
        %add3A_115 = arith.addi %mul3A_113, %add3A_114 : i32
        %add3A_116 = vector.broadcast %add3A_115 : i32 to vector<16xi32>
        %add3A_117 = arith.addi %broadcast_in_dim3A_111, %add3A_116 : vector<16xi32>
        %gather3A = tpu.vector_load_idx %arg11[%add3A_75, %add3A_117] : memref<512x16xi32, #tpu.memory_space<vmem>>[vector<16xi32>, vector<16xi32>], vector<16xi32>,
        %bitcast3A = vector.bitcast %gather3A : vector<16xi32> to vector<32xbf16>
        %unpack3A = tpu.unpack_subelements %bitcast3A, 0 {pack_format = #tpu.pack_format<interleaved>} : vector<32xbf16> -> vector<16xf32>
        %unpack3A_118 = tpu.unpack_subelements %bitcast3A, 1 {pack_format = #tpu.pack_format<interleaved>} : vector<32xbf16> -> vector<16xf32>
        %add3A_119 = arith.constant 0 : i32
        %add3A_120 = vector.broadcast %add3A_119 : i32 to vector<16xi32>
        %add3A_121 = arith.addi %mul3A_78, %add3A_120 : vector<16xi32>
        %gather3A_122 = tpu.vector_load_idx %arg13[%add3A_121, %add3A_117] : memref<2560x16xi32, #tpu.memory_space<vmem>>[vector<16xi32>, vector<16xi32>], vector<16xi32>,
        %bitcast3A_123 = vector.bitcast %gather3A_122 : vector<16xi32> to vector<32xbf16>
        %unpack3A_124 = tpu.unpack_subelements %bitcast3A_123, 0 {pack_format = #tpu.pack_format<interleaved>} : vector<32xbf16> -> vector<16xf32>
        %unpack3A_125 = tpu.unpack_subelements %bitcast3A_123, 1 {pack_format = #tpu.pack_format<interleaved>} : vector<32xbf16> -> vector<16xf32>
        %mul3A_126 = arith.mulf %unpack3A, %unpack3A_124 : vector<16xf32>
        %add3A_127 = arith.addf %scan3A_105, %mul3A_126 : vector<16xf32>
        %mul3A_128 = arith.mulf %unpack3A_118, %unpack3A_125 : vector<16xf32>
        %add3A_129 = arith.addf %add3A_127, %mul3A_128 : vector<16xf32>
        %add3A_130 = arith.constant 1 : i32
        %add3A_131 = vector.broadcast %add3A_130 : i32 to vector<16xi32>
        %add3A_132 = arith.addi %mul3A_78, %add3A_131 : vector<16xi32>
        %gather3A_133 = tpu.vector_load_idx %arg13[%add3A_132, %add3A_117] : memref<2560x16xi32, #tpu.memory_space<vmem>>[vector<16xi32>, vector<16xi32>], vector<16xi32>,
        %bitcast3A_134 = vector.bitcast %gather3A_133 : vector<16xi32> to vector<32xbf16>
        %unpack3A_135 = tpu.unpack_subelements %bitcast3A_134, 0 {pack_format = #tpu.pack_format<interleaved>} : vector<32xbf16> -> vector<16xf32>
        %unpack3A_136 = tpu.unpack_subelements %bitcast3A_134, 1 {pack_format = #tpu.pack_format<interleaved>} : vector<32xbf16> -> vector<16xf32>
        %mul3A_137 = arith.mulf %unpack3A, %unpack3A_135 : vector<16xf32>
        %add3A_138 = arith.addf %scan3A_106, %mul3A_137 : vector<16xf32>
        %mul3A_139 = arith.mulf %unpack3A_118, %unpack3A_136 : vector<16xf32>
        %add3A_140 = arith.addf %add3A_138, %mul3A_139 : vector<16xf32>
        %add3A_141 = arith.constant 2 : i32
        %add3A_142 = vector.broadcast %add3A_141 : i32 to vector<16xi32>
        %add3A_143 = arith.addi %mul3A_78, %add3A_142 : vector<16xi32>
        %gather3A_144 = tpu.vector_load_idx %arg13[%add3A_143, %add3A_117] : memref<2560x16xi32, #tpu.memory_space<vmem>>[vector<16xi32>, vector<16xi32>], vector<16xi32>,
        %bitcast3A_145 = vector.bitcast %gather3A_144 : vector<16xi32> to vector<32xbf16>
        %unpack3A_146 = tpu.unpack_subelements %bitcast3A_145, 0 {pack_format = #tpu.pack_format<interleaved>} : vector<32xbf16> -> vector<16xf32>
        %unpack3A_147 = tpu.unpack_subelements %bitcast3A_145, 1 {pack_format = #tpu.pack_format<interleaved>} : vector<32xbf16> -> vector<16xf32>
        %mul3A_148 = arith.mulf %unpack3A, %unpack3A_146 : vector<16xf32>
        %add3A_149 = arith.addf %scan3A_107, %mul3A_148 : vector<16xf32>
        %mul3A_150 = arith.mulf %unpack3A_118, %unpack3A_147 : vector<16xf32>
        %add3A_151 = arith.addf %add3A_149, %mul3A_150 : vector<16xf32>
        %add3A_152 = arith.constant 3 : i32
        %add3A_153 = vector.broadcast %add3A_152 : i32 to vector<16xi32>
        %add3A_154 = arith.addi %mul3A_78, %add3A_153 : vector<16xi32>
        %gather3A_155 = tpu.vector_load_idx %arg13[%add3A_154, %add3A_117] : memref<2560x16xi32, #tpu.memory_space<vmem>>[vector<16xi32>, vector<16xi32>], vector<16xi32>,
        %bitcast3A_156 = vector.bitcast %gather3A_155 : vector<16xi32> to vector<32xbf16>
        %unpack3A_157 = tpu.unpack_subelements %bitcast3A_156, 0 {pack_format = #tpu.pack_format<interleaved>} : vector<32xbf16> -> vector<16xf32>
        %unpack3A_158 = tpu.unpack_subelements %bitcast3A_156, 1 {pack_format = #tpu.pack_format<interleaved>} : vector<32xbf16> -> vector<16xf32>
        %mul3A_159 = arith.mulf %unpack3A, %unpack3A_157 : vector<16xf32>
        %add3A_160 = arith.addf %scan3A_108, %mul3A_159 : vector<16xf32>
        %mul3A_161 = arith.mulf %unpack3A_118, %unpack3A_158 : vector<16xf32>
        %add3A_162 = arith.addf %add3A_160, %mul3A_161 : vector<16xf32>
        %add3A_163 = arith.constant 4 : i32
        %add3A_164 = vector.broadcast %add3A_163 : i32 to vector<16xi32>
        %add3A_165 = arith.addi %mul3A_78, %add3A_164 : vector<16xi32>
        %gather3A_166 = tpu.vector_load_idx %arg13[%add3A_165, %add3A_117] : memref<2560x16xi32, #tpu.memory_space<vmem>>[vector<16xi32>, vector<16xi32>], vector<16xi32>,
        %bitcast3A_167 = vector.bitcast %gather3A_166 : vector<16xi32> to vector<32xbf16>
        %unpack3A_168 = tpu.unpack_subelements %bitcast3A_167, 0 {pack_format = #tpu.pack_format<interleaved>} : vector<32xbf16> -> vector<16xf32>
        %unpack3A_169 = tpu.unpack_subelements %bitcast3A_167, 1 {pack_format = #tpu.pack_format<interleaved>} : vector<32xbf16> -> vector<16xf32>
        %mul3A_170 = arith.mulf %unpack3A, %unpack3A_168 : vector<16xf32>
        %add3A_171 = arith.addf %scan3A_109, %mul3A_170 : vector<16xf32>
        %mul3A_172 = arith.mulf %unpack3A_118, %unpack3A_169 : vector<16xf32>
        %add3A_173 = arith.addf %add3A_171, %mul3A_172 : vector<16xf32>
        %broadcast_in_dim3A_174 = arith.constant 0 : i32
        %broadcast_in_dim3A_175 = vector.broadcast %broadcast_in_dim3A_174 : i32 to vector<16xi32>
        %mul3A_176 = arith.constant 4 : i32
        %mul3A_177 = arith.muli %scan3A_104, %mul3A_176 : i32
        %add3A_178 = arith.constant 1 : i32
        %add3A_179 = arith.addi %mul3A_177, %add3A_178 : i32
        %add3A_180 = vector.broadcast %add3A_179 : i32 to vector<16xi32>
        %add3A_181 = arith.addi %broadcast_in_dim3A_175, %add3A_180 : vector<16xi32>
        %gather3A_182 = tpu.vector_load_idx %arg11[%add3A_75, %add3A_181] : memref<512x16xi32, #tpu.memory_space<vmem>>[vector<16xi32>, vector<16xi32>], vector<16xi32>,
        %bitcast3A_183 = vector.bitcast %gather3A_182 : vector<16xi32> to vector<32xbf16>
        %unpack3A_184 = tpu.unpack_subelements %bitcast3A_183, 0 {pack_format = #tpu.pack_format<interleaved>} : vector<32xbf16> -> vector<16xf32>
        %unpack3A_185 = tpu.unpack_subelements %bitcast3A_183, 1 {pack_format = #tpu.pack_format<interleaved>} : vector<32xbf16> -> vector<16xf32>
        %add3A_186 = arith.constant 0 : i32
        %add3A_187 = vector.broadcast %add3A_186 : i32 to vector<16xi32>
        %add3A_188 = arith.addi %mul3A_78, %add3A_187 : vector<16xi32>
        %gather3A_189 = tpu.vector_load_idx %arg13[%add3A_188, %add3A_181] : memref<2560x16xi32, #tpu.memory_space<vmem>>[vector<16xi32>, vector<16xi32>], vector<16xi32>,
        %bitcast3A_190 = vector.bitcast %gather3A_189 : vector<16xi32> to vector<32xbf16>
        %unpack3A_191 = tpu.unpack_subelements %bitcast3A_190, 0 {pack_format = #tpu.pack_format<interleaved>} : vector<32xbf16> -> vector<16xf32>
        %unpack3A_192 = tpu.unpack_subelements %bitcast3A_190, 1 {pack_format = #tpu.pack_format<interleaved>} : vector<32xbf16> -> vector<16xf32>
        %mul3A_193 = arith.mulf %unpack3A_184, %unpack3A_191 : vector<16xf32>
        %add3A_194 = arith.addf %add3A_129, %mul3A_193 : vector<16xf32>
        %mul3A_195 = arith.mulf %unpack3A_185, %unpack3A_192 : vector<16xf32>
        %add3A_196 = arith.addf %add3A_194, %mul3A_195 : vector<16xf32>
        %add3A_197 = arith.constant 1 : i32
        %add3A_198 = vector.broadcast %add3A_197 : i32 to vector<16xi32>
        %add3A_199 = arith.addi %mul3A_78, %add3A_198 : vector<16xi32>
        %gather3A_200 = tpu.vector_load_idx %arg13[%add3A_199, %add3A_181] : memref<2560x16xi32, #tpu.memory_space<vmem>>[vector<16xi32>, vector<16xi32>], vector<16xi32>,
        %bitcast3A_201 = vector.bitcast %gather3A_200 : vector<16xi32> to vector<32xbf16>
        %unpack3A_202 = tpu.unpack_subelements %bitcast3A_201, 0 {pack_format = #tpu.pack_format<interleaved>} : vector<32xbf16> -> vector<16xf32>
        %unpack3A_203 = tpu.unpack_subelements %bitcast3A_201, 1 {pack_format = #tpu.pack_format<interleaved>} : vector<32xbf16> -> vector<16xf32>
        %mul3A_204 = arith.mulf %unpack3A_184, %unpack3A_202 : vector<16xf32>
        %add3A_205 = arith.addf %add3A_140, %mul3A_204 : vector<16xf32>
        %mul3A_206 = arith.mulf %unpack3A_185, %unpack3A_203 : vector<16xf32>
        %add3A_207 = arith.addf %add3A_205, %mul3A_206 : vector<16xf32>
        %add3A_208 = arith.constant 2 : i32
        %add3A_209 = vector.broadcast %add3A_208 : i32 to vector<16xi32>
        %add3A_210 = arith.addi %mul3A_78, %add3A_209 : vector<16xi32>
        %gather3A_211 = tpu.vector_load_idx %arg13[%add3A_210, %add3A_181] : memref<2560x16xi32, #tpu.memory_space<vmem>>[vector<16xi32>, vector<16xi32>], vector<16xi32>,
        %bitcast3A_212 = vector.bitcast %gather3A_211 : vector<16xi32> to vector<32xbf16>
        %unpack3A_213 = tpu.unpack_subelements %bitcast3A_212, 0 {pack_format = #tpu.pack_format<interleaved>} : vector<32xbf16> -> vector<16xf32>
        %unpack3A_214 = tpu.unpack_subelements %bitcast3A_212, 1 {pack_format = #tpu.pack_format<interleaved>} : vector<32xbf16> -> vector<16xf32>
        %mul3A_215 = arith.mulf %unpack3A_184, %unpack3A_213 : vector<16xf32>
        %add3A_216 = arith.addf %add3A_151, %mul3A_215 : vector<16xf32>
        %mul3A_217 = arith.mulf %unpack3A_185, %unpack3A_214 : vector<16xf32>
        %add3A_218 = arith.addf %add3A_216, %mul3A_217 : vector<16xf32>
        %add3A_219 = arith.constant 3 : i32
        %add3A_220 = vector.broadcast %add3A_219 : i32 to vector<16xi32>
        %add3A_221 = arith.addi %mul3A_78, %add3A_220 : vector<16xi32>
        %gather3A_222 = tpu.vector_load_idx %arg13[%add3A_221, %add3A_181] : memref<2560x16xi32, #tpu.memory_space<vmem>>[vector<16xi32>, vector<16xi32>], vector<16xi32>,
        %bitcast3A_223 = vector.bitcast %gather3A_222 : vector<16xi32> to vector<32xbf16>
        %unpack3A_224 = tpu.unpack_subelements %bitcast3A_223, 0 {pack_format = #tpu.pack_format<interleaved>} : vector<32xbf16> -> vector<16xf32>
        %unpack3A_225 = tpu.unpack_subelements %bitcast3A_223, 1 {pack_format = #tpu.pack_format<interleaved>} : vector<32xbf16> -> vector<16xf32>
        %mul3A_226 = arith.mulf %unpack3A_184, %unpack3A_224 : vector<16xf32>
        %add3A_227 = arith.addf %add3A_162, %mul3A_226 : vector<16xf32>
        %mul3A_228 = arith.mulf %unpack3A_185, %unpack3A_225 : vector<16xf32>
        %add3A_229 = arith.addf %add3A_227, %mul3A_228 : vector<16xf32>
        %add3A_230 = arith.constant 4 : i32
        %add3A_231 = vector.broadcast %add3A_230 : i32 to vector<16xi32>
        %add3A_232 = arith.addi %mul3A_78, %add3A_231 : vector<16xi32>
        %gather3A_233 = tpu.vector_load_idx %arg13[%add3A_232, %add3A_181] : memref<2560x16xi32, #tpu.memory_space<vmem>>[vector<16xi32>, vector<16xi32>], vector<16xi32>,
        %bitcast3A_234 = vector.bitcast %gather3A_233 : vector<16xi32> to vector<32xbf16>
        %unpack3A_235 = tpu.unpack_subelements %bitcast3A_234, 0 {pack_format = #tpu.pack_format<interleaved>} : vector<32xbf16> -> vector<16xf32>
        %unpack3A_236 = tpu.unpack_subelements %bitcast3A_234, 1 {pack_format = #tpu.pack_format<interleaved>} : vector<32xbf16> -> vector<16xf32>
        %mul3A_237 = arith.mulf %unpack3A_184, %unpack3A_235 : vector<16xf32>
        %add3A_238 = arith.addf %add3A_173, %mul3A_237 : vector<16xf32>
        %mul3A_239 = arith.mulf %unpack3A_185, %unpack3A_236 : vector<16xf32>
        %add3A_240 = arith.addf %add3A_238, %mul3A_239 : vector<16xf32>
        %broadcast_in_dim3A_241 = arith.constant 0 : i32
        %broadcast_in_dim3A_242 = vector.broadcast %broadcast_in_dim3A_241 : i32 to vector<16xi32>
        %mul3A_243 = arith.constant 4 : i32
        %mul3A_244 = arith.muli %scan3A_104, %mul3A_243 : i32
        %add3A_245 = arith.constant 2 : i32
        %add3A_246 = arith.addi %mul3A_244, %add3A_245 : i32
        %add3A_247 = vector.broadcast %add3A_246 : i32 to vector<16xi32>
        %add3A_248 = arith.addi %broadcast_in_dim3A_242, %add3A_247 : vector<16xi32>
        %gather3A_249 = tpu.vector_load_idx %arg11[%add3A_75, %add3A_248] : memref<512x16xi32, #tpu.memory_space<vmem>>[vector<16xi32>, vector<16xi32>], vector<16xi32>,
        %bitcast3A_250 = vector.bitcast %gather3A_249 : vector<16xi32> to vector<32xbf16>
        %unpack3A_251 = tpu.unpack_subelements %bitcast3A_250, 0 {pack_format = #tpu.pack_format<interleaved>} : vector<32xbf16> -> vector<16xf32>
        %unpack3A_252 = tpu.unpack_subelements %bitcast3A_250, 1 {pack_format = #tpu.pack_format<interleaved>} : vector<32xbf16> -> vector<16xf32>
        %add3A_253 = arith.constant 0 : i32
        %add3A_254 = vector.broadcast %add3A_253 : i32 to vector<16xi32>
        %add3A_255 = arith.addi %mul3A_78, %add3A_254 : vector<16xi32>
        %gather3A_256 = tpu.vector_load_idx %arg13[%add3A_255, %add3A_248] : memref<2560x16xi32, #tpu.memory_space<vmem>>[vector<16xi32>, vector<16xi32>], vector<16xi32>,
        %bitcast3A_257 = vector.bitcast %gather3A_256 : vector<16xi32> to vector<32xbf16>
        %unpack3A_258 = tpu.unpack_subelements %bitcast3A_257, 0 {pack_format = #tpu.pack_format<interleaved>} : vector<32xbf16> -> vector<16xf32>
        %unpack3A_259 = tpu.unpack_subelements %bitcast3A_257, 1 {pack_format = #tpu.pack_format<interleaved>} : vector<32xbf16> -> vector<16xf32>
        %mul3A_260 = arith.mulf %unpack3A_251, %unpack3A_258 : vector<16xf32>
        %add3A_261 = arith.addf %add3A_196, %mul3A_260 : vector<16xf32>
        %mul3A_262 = arith.mulf %unpack3A_252, %unpack3A_259 : vector<16xf32>
        %add3A_263 = arith.addf %add3A_261, %mul3A_262 : vector<16xf32>
        %add3A_264 = arith.constant 1 : i32
        %add3A_265 = vector.broadcast %add3A_264 : i32 to vector<16xi32>
        %add3A_266 = arith.addi %mul3A_78, %add3A_265 : vector<16xi32>
        %gather3A_267 = tpu.vector_load_idx %arg13[%add3A_266, %add3A_248] : memref<2560x16xi32, #tpu.memory_space<vmem>>[vector<16xi32>, vector<16xi32>], vector<16xi32>,
        %bitcast3A_268 = vector.bitcast %gather3A_267 : vector<16xi32> to vector<32xbf16>
        %unpack3A_269 = tpu.unpack_subelements %bitcast3A_268, 0 {pack_format = #tpu.pack_format<interleaved>} : vector<32xbf16> -> vector<16xf32>
        %unpack3A_270 = tpu.unpack_subelements %bitcast3A_268, 1 {pack_format = #tpu.pack_format<interleaved>} : vector<32xbf16> -> vector<16xf32>
        %mul3A_271 = arith.mulf %unpack3A_251, %unpack3A_269 : vector<16xf32>
        %add3A_272 = arith.addf %add3A_207, %mul3A_271 : vector<16xf32>
        %mul3A_273 = arith.mulf %unpack3A_252, %unpack3A_270 : vector<16xf32>
        %add3A_274 = arith.addf %add3A_272, %mul3A_273 : vector<16xf32>
        %add3A_275 = arith.constant 2 : i32
        %add3A_276 = vector.broadcast %add3A_275 : i32 to vector<16xi32>
        %add3A_277 = arith.addi %mul3A_78, %add3A_276 : vector<16xi32>
        %gather3A_278 = tpu.vector_load_idx %arg13[%add3A_277, %add3A_248] : memref<2560x16xi32, #tpu.memory_space<vmem>>[vector<16xi32>, vector<16xi32>], vector<16xi32>,
        %bitcast3A_279 = vector.bitcast %gather3A_278 : vector<16xi32> to vector<32xbf16>
        %unpack3A_280 = tpu.unpack_subelements %bitcast3A_279, 0 {pack_format = #tpu.pack_format<interleaved>} : vector<32xbf16> -> vector<16xf32>
        %unpack3A_281 = tpu.unpack_subelements %bitcast3A_279, 1 {pack_format = #tpu.pack_format<interleaved>} : vector<32xbf16> -> vector<16xf32>
        %mul3A_282 = arith.mulf %unpack3A_251, %unpack3A_280 : vector<16xf32>
        %add3A_283 = arith.addf %add3A_218, %mul3A_282 : vector<16xf32>
        %mul3A_284 = arith.mulf %unpack3A_252, %unpack3A_281 : vector<16xf32>
        %add3A_285 = arith.addf %add3A_283, %mul3A_284 : vector<16xf32>
        %add3A_286 = arith.constant 3 : i32
        %add3A_287 = vector.broadcast %add3A_286 : i32 to vector<16xi32>
        %add3A_288 = arith.addi %mul3A_78, %add3A_287 : vector<16xi32>
        %gather3A_289 = tpu.vector_load_idx %arg13[%add3A_288, %add3A_248] : memref<2560x16xi32, #tpu.memory_space<vmem>>[vector<16xi32>, vector<16xi32>], vector<16xi32>,
        %bitcast3A_290 = vector.bitcast %gather3A_289 : vector<16xi32> to vector<32xbf16>
        %unpack3A_291 = tpu.unpack_subelements %bitcast3A_290, 0 {pack_format = #tpu.pack_format<interleaved>} : vector<32xbf16> -> vector<16xf32>
        %unpack3A_292 = tpu.unpack_subelements %bitcast3A_290, 1 {pack_format = #tpu.pack_format<interleaved>} : vector<32xbf16> -> vector<16xf32>
        %mul3A_293 = arith.mulf %unpack3A_251, %unpack3A_291 : vector<16xf32>
        %add3A_294 = arith.addf %add3A_229, %mul3A_293 : vector<16xf32>
        %mul3A_295 = arith.mulf %unpack3A_252, %unpack3A_292 : vector<16xf32>
        %add3A_296 = arith.addf %add3A_294, %mul3A_295 : vector<16xf32>
        %add3A_297 = arith.constant 4 : i32
        %add3A_298 = vector.broadcast %add3A_297 : i32 to vector<16xi32>
        %add3A_299 = arith.addi %mul3A_78, %add3A_298 : vector<16xi32>
        %gather3A_300 = tpu.vector_load_idx %arg13[%add3A_299, %add3A_248] : memref<2560x16xi32, #tpu.memory_space<vmem>>[vector<16xi32>, vector<16xi32>], vector<16xi32>,
        %bitcast3A_301 = vector.bitcast %gather3A_300 : vector<16xi32> to vector<32xbf16>
        %unpack3A_302 = tpu.unpack_subelements %bitcast3A_301, 0 {pack_format = #tpu.pack_format<interleaved>} : vector<32xbf16> -> vector<16xf32>
        %unpack3A_303 = tpu.unpack_subelements %bitcast3A_301, 1 {pack_format = #tpu.pack_format<interleaved>} : vector<32xbf16> -> vector<16xf32>
        %mul3A_304 = arith.mulf %unpack3A_251, %unpack3A_302 : vector<16xf32>
        %add3A_305 = arith.addf %add3A_240, %mul3A_304 : vector<16xf32>
        %mul3A_306 = arith.mulf %unpack3A_252, %unpack3A_303 : vector<16xf32>
        %add3A_307 = arith.addf %add3A_305, %mul3A_306 : vector<16xf32>
        %broadcast_in_dim3A_308 = arith.constant 0 : i32
        %broadcast_in_dim3A_309 = vector.broadcast %broadcast_in_dim3A_308 : i32 to vector<16xi32>
        %mul3A_310 = arith.constant 4 : i32
        %mul3A_311 = arith.muli %scan3A_104, %mul3A_310 : i32
        %add3A_312 = arith.constant 3 : i32
        %add3A_313 = arith.addi %mul3A_311, %add3A_312 : i32
        %add3A_314 = vector.broadcast %add3A_313 : i32 to vector<16xi32>
        %add3A_315 = arith.addi %broadcast_in_dim3A_309, %add3A_314 : vector<16xi32>
        %gather3A_316 = tpu.vector_load_idx %arg11[%add3A_75, %add3A_315] : memref<512x16xi32, #tpu.memory_space<vmem>>[vector<16xi32>, vector<16xi32>], vector<16xi32>,
        %bitcast3A_317 = vector.bitcast %gather3A_316 : vector<16xi32> to vector<32xbf16>
        %unpack3A_318 = tpu.unpack_subelements %bitcast3A_317, 0 {pack_format = #tpu.pack_format<interleaved>} : vector<32xbf16> -> vector<16xf32>
        %unpack3A_319 = tpu.unpack_subelements %bitcast3A_317, 1 {pack_format = #tpu.pack_format<interleaved>} : vector<32xbf16> -> vector<16xf32>
        %add3A_320 = arith.constant 0 : i32
        %add3A_321 = vector.broadcast %add3A_320 : i32 to vector<16xi32>
        %add3A_322 = arith.addi %mul3A_78, %add3A_321 : vector<16xi32>
        %gather3A_323 = tpu.vector_load_idx %arg13[%add3A_322, %add3A_315] : memref<2560x16xi32, #tpu.memory_space<vmem>>[vector<16xi32>, vector<16xi32>], vector<16xi32>,
        %bitcast3A_324 = vector.bitcast %gather3A_323 : vector<16xi32> to vector<32xbf16>
        %unpack3A_325 = tpu.unpack_subelements %bitcast3A_324, 0 {pack_format = #tpu.pack_format<interleaved>} : vector<32xbf16> -> vector<16xf32>
        %unpack3A_326 = tpu.unpack_subelements %bitcast3A_324, 1 {pack_format = #tpu.pack_format<interleaved>} : vector<32xbf16> -> vector<16xf32>
        %mul3A_327 = arith.mulf %unpack3A_318, %unpack3A_325 : vector<16xf32>
        %add3A_328 = arith.addf %add3A_263, %mul3A_327 : vector<16xf32>
        %mul3A_329 = arith.mulf %unpack3A_319, %unpack3A_326 : vector<16xf32>
        %add3A_330 = arith.addf %add3A_328, %mul3A_329 : vector<16xf32>
        %add3A_331 = arith.constant 1 : i32
        %add3A_332 = vector.broadcast %add3A_331 : i32 to vector<16xi32>
        %add3A_333 = arith.addi %mul3A_78, %add3A_332 : vector<16xi32>
        %gather3A_334 = tpu.vector_load_idx %arg13[%add3A_333, %add3A_315] : memref<2560x16xi32, #tpu.memory_space<vmem>>[vector<16xi32>, vector<16xi32>], vector<16xi32>,
        %bitcast3A_335 = vector.bitcast %gather3A_334 : vector<16xi32> to vector<32xbf16>
        %unpack3A_336 = tpu.unpack_subelements %bitcast3A_335, 0 {pack_format = #tpu.pack_format<interleaved>} : vector<32xbf16> -> vector<16xf32>
        %unpack3A_337 = tpu.unpack_subelements %bitcast3A_335, 1 {pack_format = #tpu.pack_format<interleaved>} : vector<32xbf16> -> vector<16xf32>
        %mul3A_338 = arith.mulf %unpack3A_318, %unpack3A_336 : vector<16xf32>
        %add3A_339 = arith.addf %add3A_274, %mul3A_338 : vector<16xf32>
        %mul3A_340 = arith.mulf %unpack3A_319, %unpack3A_337 : vector<16xf32>
        %add3A_341 = arith.addf %add3A_339, %mul3A_340 : vector<16xf32>
        %add3A_342 = arith.constant 2 : i32
        %add3A_343 = vector.broadcast %add3A_342 : i32 to vector<16xi32>
        %add3A_344 = arith.addi %mul3A_78, %add3A_343 : vector<16xi32>
        %gather3A_345 = tpu.vector_load_idx %arg13[%add3A_344, %add3A_315] : memref<2560x16xi32, #tpu.memory_space<vmem>>[vector<16xi32>, vector<16xi32>], vector<16xi32>,
        %bitcast3A_346 = vector.bitcast %gather3A_345 : vector<16xi32> to vector<32xbf16>
        %unpack3A_347 = tpu.unpack_subelements %bitcast3A_346, 0 {pack_format = #tpu.pack_format<interleaved>} : vector<32xbf16> -> vector<16xf32>
        %unpack3A_348 = tpu.unpack_subelements %bitcast3A_346, 1 {pack_format = #tpu.pack_format<interleaved>} : vector<32xbf16> -> vector<16xf32>
        %mul3A_349 = arith.mulf %unpack3A_318, %unpack3A_347 : vector<16xf32>
        %add3A_350 = arith.addf %add3A_285, %mul3A_349 : vector<16xf32>
        %mul3A_351 = arith.mulf %unpack3A_319, %unpack3A_348 : vector<16xf32>
        %add3A_352 = arith.addf %add3A_350, %mul3A_351 : vector<16xf32>
        %add3A_353 = arith.constant 3 : i32
        %add3A_354 = vector.broadcast %add3A_353 : i32 to vector<16xi32>
        %add3A_355 = arith.addi %mul3A_78, %add3A_354 : vector<16xi32>
        %gather3A_356 = tpu.vector_load_idx %arg13[%add3A_355, %add3A_315] : memref<2560x16xi32, #tpu.memory_space<vmem>>[vector<16xi32>, vector<16xi32>], vector<16xi32>,
        %bitcast3A_357 = vector.bitcast %gather3A_356 : vector<16xi32> to vector<32xbf16>
        %unpack3A_358 = tpu.unpack_subelements %bitcast3A_357, 0 {pack_format = #tpu.pack_format<interleaved>} : vector<32xbf16> -> vector<16xf32>
        %unpack3A_359 = tpu.unpack_subelements %bitcast3A_357, 1 {pack_format = #tpu.pack_format<interleaved>} : vector<32xbf16> -> vector<16xf32>
        %mul3A_360 = arith.mulf %unpack3A_318, %unpack3A_358 : vector<16xf32>
        %add3A_361 = arith.addf %add3A_296, %mul3A_360 : vector<16xf32>
        %mul3A_362 = arith.mulf %unpack3A_319, %unpack3A_359 : vector<16xf32>
        %add3A_363 = arith.addf %add3A_361, %mul3A_362 : vector<16xf32>
        %add3A_364 = arith.constant 4 : i32
        %add3A_365 = vector.broadcast %add3A_364 : i32 to vector<16xi32>
        %add3A_366 = arith.addi %mul3A_78, %add3A_365 : vector<16xi32>
        %gather3A_367 = tpu.vector_load_idx %arg13[%add3A_366, %add3A_315] : memref<2560x16xi32, #tpu.memory_space<vmem>>[vector<16xi32>, vector<16xi32>], vector<16xi32>,
        %bitcast3A_368 = vector.bitcast %gather3A_367 : vector<16xi32> to vector<32xbf16>
        %unpack3A_369 = tpu.unpack_subelements %bitcast3A_368, 0 {pack_format = #tpu.pack_format<interleaved>} : vector<32xbf16> -> vector<16xf32>
        %unpack3A_370 = tpu.unpack_subelements %bitcast3A_368, 1 {pack_format = #tpu.pack_format<interleaved>} : vector<32xbf16> -> vector<16xf32>
        %mul3A_371 = arith.mulf %unpack3A_318, %unpack3A_369 : vector<16xf32>
        %add3A_372 = arith.addf %add3A_307, %mul3A_371 : vector<16xf32>
        %mul3A_373 = arith.mulf %unpack3A_319, %unpack3A_370 : vector<16xf32>
        %add3A_374 = arith.addf %add3A_372, %mul3A_373 : vector<16xf32>
        scf.yield %add3A_330, %add3A_341, %add3A_352, %add3A_363, %add3A_374 : vector<16xf32>, vector<16xf32>, vector<16xf32>, vector<16xf32>, vector<16xf32>
      }
      %scan3A_84 = arith.constant 4 : i32
      %add3A_85 = arith.constant 512 : i32
      %add3A_86 = arith.addi %add3A_85, %mul3A_73 : i32
      %swap3A = arith.index_cast %add3A_86 : i32 to index
      %swap3A_87 = tpu.vector_load %arg14[%swap3A] {strides = array<i32>} : memref<3072xf32, #tpu.memory_space<vmem>>, vector<16xf32>,
      tpu.vector_store %arg14[%swap3A], %scan3A_83#0 {strides = array<i32>} : memref<3072xf32, #tpu.memory_space<vmem>>, vector<16xf32>,
      %add3A_88 = arith.constant 1024 : i32
      %add3A_89 = arith.addi %add3A_88, %mul3A_73 : i32
      %swap3A_90 = arith.index_cast %add3A_89 : i32 to index
      %swap3A_91 = tpu.vector_load %arg14[%swap3A_90] {strides = array<i32>} : memref<3072xf32, #tpu.memory_space<vmem>>, vector<16xf32>,
      tpu.vector_store %arg14[%swap3A_90], %scan3A_83#1 {strides = array<i32>} : memref<3072xf32, #tpu.memory_space<vmem>>, vector<16xf32>,
      %add3A_92 = arith.constant 1536 : i32
      %add3A_93 = arith.addi %add3A_92, %mul3A_73 : i32
      %swap3A_94 = arith.index_cast %add3A_93 : i32 to index
      %swap3A_95 = tpu.vector_load %arg14[%swap3A_94] {strides = array<i32>} : memref<3072xf32, #tpu.memory_space<vmem>>, vector<16xf32>,
      tpu.vector_store %arg14[%swap3A_94], %scan3A_83#2 {strides = array<i32>} : memref<3072xf32, #tpu.memory_space<vmem>>, vector<16xf32>,
      %add3A_96 = arith.constant 2048 : i32
      %add3A_97 = arith.addi %add3A_96, %mul3A_73 : i32
      %swap3A_98 = arith.index_cast %add3A_97 : i32 to index
      %swap3A_99 = tpu.vector_load %arg14[%swap3A_98] {strides = array<i32>} : memref<3072xf32, #tpu.memory_space<vmem>>, vector<16xf32>,
      tpu.vector_store %arg14[%swap3A_98], %scan3A_83#3 {strides = array<i32>} : memref<3072xf32, #tpu.memory_space<vmem>>, vector<16xf32>,
      %add3A_100 = arith.constant 2560 : i32
      %add3A_101 = arith.addi %add3A_100, %mul3A_73 : i32
      %swap3A_102 = arith.index_cast %add3A_101 : i32 to index
      %swap3A_103 = tpu.vector_load %arg14[%swap3A_102] {strides = array<i32>} : memref<3072xf32, #tpu.memory_space<vmem>>, vector<16xf32>,
      tpu.vector_store %arg14[%swap3A_102], %scan3A_83#4 {strides = array<i32>} : memref<3072xf32, #tpu.memory_space<vmem>>, vector<16xf32>,
    }
    %scan3A_66 = arith.constant 32 : i32
    %mul3A_67 = arith.constant 6 : i32
    %mul3A_68 = arith.muli %add3A, %mul3A_67 : i32
    %mul3A_69 = arith.constant 512 : i32
    %mul3A_70 = arith.muli %mul3A_68, %mul3A_69 : i32
    "tpu.region"() ({
      %run_scoped3A = tpu.sem_alloc : memref<!tpu.dma_semaphore, #tpu.memory_space<semaphore_mem>>
      %dma_start3A_71 = tpu.memref_slice %arg7[%mul3A_70] : memref<98304xf32, #tpu.memory_space<hbm>> -> memref<3072xf32, #tpu.memory_space<hbm>>
      %dma_start3A_72 = tpu.memref_slice %arg7[%mul3A_70] : memref<98304xf32, #tpu.memory_space<hbm>> -> memref<3072xf32, #tpu.memory_space<hbm>>
      tpu.enqueue_dma source(%arg14 : memref<3072xf32, #tpu.memory_space<vmem>>) target(%dma_start3A_72 : memref<3072xf32, #tpu.memory_space<hbm>>) target_semaphore(%run_scoped3A : memref<!tpu.dma_semaphore, #tpu.memory_space<semaphore_mem>>)
      %dma_wait3A_73 = tpu.memref_slice %arg7[%mul3A_70] : memref<98304xf32, #tpu.memory_space<hbm>> -> memref<3072xf32, #tpu.memory_space<hbm>>
      %dma_wait3A_74 = tpu.memref_slice %arg7[%mul3A_70] : memref<98304xf32, #tpu.memory_space<hbm>> -> memref<3072xf32, #tpu.memory_space<hbm>>
      tpu.wait_dma2 semaphore(%run_scoped3A : memref<!tpu.dma_semaphore, #tpu.memory_space<semaphore_mem>>) src(%arg14 : memref<3072xf32, #tpu.memory_space<vmem>>) dst(%dma_wait3A_74 : memref<3072xf32, #tpu.memory_space<hbm>>)
      tpu.yield
    }) : () -> ()
    return
  }
}

module attributes {stable_mosaic.version = 14 : i64} {
  func.func @_tc_body(%arg0: memref<768x128xf32, #tpu.memory_space<vmem>>, %arg1: memref<1x1xf32, #tpu.memory_space<smem>>) attributes {dimension_semantics = [], scalar_prefetch = 0 : i64, scratch_operands = 0 : i64, tpu.core_type = #tpu.core_type<tc>} {
    %get3A = arith.constant 0 : index
    %get3A_0 = arith.constant 0 : index
    %get3A_1 = vector.load %arg0[%get3A, %get3A_0] : memref<768x128xf32, #tpu.memory_space<vmem>>, vector<768x128xf32>
    %custom_jvp_call3A = arith.constant 0.000000e+00 : f32
    %max3A = vector.broadcast %custom_jvp_call3A : f32 to vector<768x128xf32>
    %max3A_2 = arith.maximumf %get3A_1, %max3A : vector<768x128xf32>
    %sub3A = vector.broadcast %custom_jvp_call3A : f32 to vector<768x128xf32>
    %sub3A_3 = arith.subf %get3A_1, %sub3A : vector<768x128xf32>
    %ne3A = arith.cmpf one, %sub3A_3, %sub3A_3 : vector<768x128xf32>
    %add3A = vector.broadcast %custom_jvp_call3A : f32 to vector<768x128xf32>
    %add3A_4 = arith.addf %get3A_1, %add3A : vector<768x128xf32>
    %abs3A = math.absf %sub3A_3 : vector<768x128xf32>
    %neg3A = arith.constant 0.000000e+00 : f32
    %neg3A_5 = vector.broadcast %neg3A : f32 to vector<768x128xf32>
    %neg3A_6 = arith.subf %neg3A_5, %abs3A : vector<768x128xf32>
    %exp3A = math.exp %neg3A_6 : vector<768x128xf32>
    %log1p3A = math.log1p %exp3A : vector<768x128xf32>
    %add3A_7 = arith.addf %max3A_2, %log1p3A : vector<768x128xf32>
    %select_n3A = arith.select %ne3A, %add3A_4, %add3A_7 : vector<768x128xi1>, vector<768x128xf32>
    %reduce_sum3A = vector.shape_cast %select_n3A : vector<768x128xf32> to vector<1x768x128xf32>
    %reduce_sum3A_8 = arith.constant dense<0.000000e+00> : vector<1xf32>
    %reduce_sum3A_9 = vector.multi_reduction <add>, %reduce_sum3A, %reduce_sum3A_8 [1, 2] : vector<1x768x128xf32> to vector<1xf32>
    %reduce_sum3A_10 = vector.shape_cast %reduce_sum3A_9 : vector<1xf32> to vector<1x1x1xf32>
    %reduce_sum3A_11 = vector.extract %reduce_sum3A_10[0, 0, 0] : f32 from vector<1x1x1xf32>
    %div3A = arith.constant 1.638400e+04 : f32
    %div3A_12 = arith.divf %reduce_sum3A_11, %div3A : f32
    %swap3A = arith.constant 0 : index
    %swap3A_13 = arith.constant 0 : index
    %swap3A_14 = memref.load %arg1[%swap3A, %swap3A_13] : memref<1x1xf32, #tpu.memory_space<smem>>
    memref.store %div3A_12, %arg1[%swap3A, %swap3A_13] : memref<1x1xf32, #tpu.memory_space<smem>>
    return
  }
}

module attributes {stable_mosaic.version = 14 : i64} {
  func.func @_repack_body(%arg0: i32, %arg1: memref<32x32768xf32, #tpu.memory_space<vmem>>, %arg2: memref<32x32768xf32, #tpu.memory_space<vmem>>, %arg3: memref<4096x128xi32, #tpu.memory_space<vmem>>, %arg4: memref<4096x128xi32, #tpu.memory_space<vmem>>) attributes {dimension_semantics = [#tpu.dimension_semantics<arbitrary>], iteration_bounds = array<i64: 31>, scalar_prefetch = 0 : i64, scratch_operands = 0 : i64, tpu.core_type = #tpu.core_type<tc>, window_params = [{transform_indices = @transform_0, window_bounds = array<i64: 32, 32768>}, {transform_indices = @transform_1, window_bounds = array<i64: 32, 32768>}, {transform_indices = @transform_2, window_bounds = array<i64: 4096, 128>}, {transform_indices = @transform_3, window_bounds = array<i64: 4096, 128>}]} {
    %get3A = arith.constant 0 : index
    %get3A_0 = arith.constant 0 : index
    %get3A_1 = vector.load %arg1[%get3A, %get3A_0] : memref<32x32768xf32, #tpu.memory_space<vmem>>, vector<32x32768xf32>
    %slice3A = vector.extract_strided_slice %get3A_1 {offsets = [0, 0], sizes = [16, 32768], strides = [1, 1]} : vector<32x32768xf32> to vector<16x32768xf32>
    %slice3A_2 = vector.extract_strided_slice %get3A_1 {offsets = [16, 0], sizes = [16, 32768], strides = [1, 1]} : vector<32x32768xf32> to vector<16x32768xf32>
    %slice3A_3 = vector.extract_strided_slice %slice3A {offsets = [0, 0], sizes = [16, 4096], strides = [1, 1]} : vector<16x32768xf32> to vector<16x4096xf32>
    %slice3A_4 = vector.extract_strided_slice %slice3A {offsets = [0, 4096], sizes = [16, 4096], strides = [1, 1]} : vector<16x32768xf32> to vector<16x4096xf32>
    %slice3A_5 = vector.extract_strided_slice %slice3A {offsets = [0, 8192], sizes = [16, 4096], strides = [1, 1]} : vector<16x32768xf32> to vector<16x4096xf32>
    %slice3A_6 = vector.extract_strided_slice %slice3A {offsets = [0, 12288], sizes = [16, 4096], strides = [1, 1]} : vector<16x32768xf32> to vector<16x4096xf32>
    %slice3A_7 = vector.extract_strided_slice %slice3A {offsets = [0, 16384], sizes = [16, 4096], strides = [1, 1]} : vector<16x32768xf32> to vector<16x4096xf32>
    %slice3A_8 = vector.extract_strided_slice %slice3A {offsets = [0, 20480], sizes = [16, 4096], strides = [1, 1]} : vector<16x32768xf32> to vector<16x4096xf32>
    %slice3A_9 = vector.extract_strided_slice %slice3A {offsets = [0, 24576], sizes = [16, 4096], strides = [1, 1]} : vector<16x32768xf32> to vector<16x4096xf32>
    %slice3A_10 = vector.extract_strided_slice %slice3A {offsets = [0, 28672], sizes = [16, 4096], strides = [1, 1]} : vector<16x32768xf32> to vector<16x4096xf32>
    %concatenate3A = tpu.concatenate %slice3A_3, %slice3A_4, %slice3A_5, %slice3A_6, %slice3A_7, %slice3A_8, %slice3A_9, %slice3A_10 in 0 : vector<16x4096xf32>, vector<16x4096xf32>, vector<16x4096xf32>, vector<16x4096xf32>, vector<16x4096xf32>, vector<16x4096xf32>, vector<16x4096xf32>, vector<16x4096xf32> -> vector<128x4096xf32>
    %slice3A_11 = vector.extract_strided_slice %slice3A_2 {offsets = [0, 0], sizes = [16, 4096], strides = [1, 1]} : vector<16x32768xf32> to vector<16x4096xf32>
    %slice3A_12 = vector.extract_strided_slice %slice3A_2 {offsets = [0, 4096], sizes = [16, 4096], strides = [1, 1]} : vector<16x32768xf32> to vector<16x4096xf32>
    %slice3A_13 = vector.extract_strided_slice %slice3A_2 {offsets = [0, 8192], sizes = [16, 4096], strides = [1, 1]} : vector<16x32768xf32> to vector<16x4096xf32>
    %slice3A_14 = vector.extract_strided_slice %slice3A_2 {offsets = [0, 12288], sizes = [16, 4096], strides = [1, 1]} : vector<16x32768xf32> to vector<16x4096xf32>
    %slice3A_15 = vector.extract_strided_slice %slice3A_2 {offsets = [0, 16384], sizes = [16, 4096], strides = [1, 1]} : vector<16x32768xf32> to vector<16x4096xf32>
    %slice3A_16 = vector.extract_strided_slice %slice3A_2 {offsets = [0, 20480], sizes = [16, 4096], strides = [1, 1]} : vector<16x32768xf32> to vector<16x4096xf32>
    %slice3A_17 = vector.extract_strided_slice %slice3A_2 {offsets = [0, 24576], sizes = [16, 4096], strides = [1, 1]} : vector<16x32768xf32> to vector<16x4096xf32>
    %slice3A_18 = vector.extract_strided_slice %slice3A_2 {offsets = [0, 28672], sizes = [16, 4096], strides = [1, 1]} : vector<16x32768xf32> to vector<16x4096xf32>
    %concatenate3A_19 = tpu.concatenate %slice3A_11, %slice3A_12, %slice3A_13, %slice3A_14, %slice3A_15, %slice3A_16, %slice3A_17, %slice3A_18 in 0 : vector<16x4096xf32>, vector<16x4096xf32>, vector<16x4096xf32>, vector<16x4096xf32>, vector<16x4096xf32>, vector<16x4096xf32>, vector<16x4096xf32>, vector<16x4096xf32> -> vector<128x4096xf32>
    %transpose3A = tpu.transpose %concatenate3A, [1, 0] : vector<128x4096xf32> -> vector<4096x128xf32>
    %bitcast_convert_type3A = tpu.bitcast %transpose3A : vector<4096x128xf32> -> vector<4096x128xi32>
    %transpose3A_20 = tpu.transpose %concatenate3A_19, [1, 0] : vector<128x4096xf32> -> vector<4096x128xf32>
    %bitcast_convert_type3A_21 = tpu.bitcast %transpose3A_20 : vector<4096x128xf32> -> vector<4096x128xi32>
    %add3A = arith.constant 32767 : i32
    %add3A_22 = vector.broadcast %add3A : i32 to vector<4096x128xi32>
    %add3A_23 = arith.addi %bitcast_convert_type3A_21, %add3A_22 : vector<4096x128xi32>
    %shift_right_arithmetic3A = arith.constant 16 : i32
    %shift_right_arithmetic3A_24 = vector.broadcast %shift_right_arithmetic3A : i32 to vector<4096x128xi32>
    %shift_right_arithmetic3A_25 = arith.shrsi %bitcast_convert_type3A_21, %shift_right_arithmetic3A_24 : vector<4096x128xi32>
    %and3A = arith.constant 1 : i32
    %and3A_26 = vector.broadcast %and3A : i32 to vector<4096x128xi32>
    %and3A_27 = arith.andi %shift_right_arithmetic3A_25, %and3A_26 : vector<4096x128xi32>
    %add3A_28 = arith.addi %add3A_23, %and3A_27 : vector<4096x128xi32>
    %shift_right_arithmetic3A_29 = arith.constant 16 : i32
    %shift_right_arithmetic3A_30 = vector.broadcast %shift_right_arithmetic3A_29 : i32 to vector<4096x128xi32>
    %shift_right_arithmetic3A_31 = arith.shrsi %add3A_28, %shift_right_arithmetic3A_30 : vector<4096x128xi32>
    %shift_left3A = arith.constant 16 : i32
    %shift_left3A_32 = vector.broadcast %shift_left3A : i32 to vector<4096x128xi32>
    %shift_left3A_33 = arith.shli %shift_right_arithmetic3A_31, %shift_left3A_32 : vector<4096x128xi32>
    %add3A_34 = arith.constant 32767 : i32
    %add3A_35 = vector.broadcast %add3A_34 : i32 to vector<4096x128xi32>
    %add3A_36 = arith.addi %bitcast_convert_type3A, %add3A_35 : vector<4096x128xi32>
    %shift_right_arithmetic3A_37 = arith.constant 16 : i32
    %shift_right_arithmetic3A_38 = vector.broadcast %shift_right_arithmetic3A_37 : i32 to vector<4096x128xi32>
    %shift_right_arithmetic3A_39 = arith.shrsi %bitcast_convert_type3A, %shift_right_arithmetic3A_38 : vector<4096x128xi32>
    %and3A_40 = arith.constant 1 : i32
    %and3A_41 = vector.broadcast %and3A_40 : i32 to vector<4096x128xi32>
    %and3A_42 = arith.andi %shift_right_arithmetic3A_39, %and3A_41 : vector<4096x128xi32>
    %add3A_43 = arith.addi %add3A_36, %and3A_42 : vector<4096x128xi32>
    %shift_right_arithmetic3A_44 = arith.constant 16 : i32
    %shift_right_arithmetic3A_45 = vector.broadcast %shift_right_arithmetic3A_44 : i32 to vector<4096x128xi32>
    %shift_right_arithmetic3A_46 = arith.shrsi %add3A_43, %shift_right_arithmetic3A_45 : vector<4096x128xi32>
    %and3A_47 = arith.constant 65535 : i32
    %and3A_48 = vector.broadcast %and3A_47 : i32 to vector<4096x128xi32>
    %and3A_49 = arith.andi %shift_right_arithmetic3A_46, %and3A_48 : vector<4096x128xi32>
    %or3A = arith.ori %shift_left3A_33, %and3A_49 : vector<4096x128xi32>
    %swap3A = arith.constant 0 : index
    %swap3A_50 = arith.constant 0 : index
    %swap3A_51 = vector.load %arg3[%swap3A, %swap3A_50] : memref<4096x128xi32, #tpu.memory_space<vmem>>, vector<4096x128xi32>
    tpu.vector_store %arg3[%swap3A, %swap3A_50], %or3A {strides = array<i32>} : memref<4096x128xi32, #tpu.memory_space<vmem>>, vector<4096x128xi32>,
    %get3A_52 = arith.constant 0 : index
    %get3A_53 = arith.constant 0 : index
    %get3A_54 = vector.load %arg2[%get3A_52, %get3A_53] : memref<32x32768xf32, #tpu.memory_space<vmem>>, vector<32x32768xf32>
    %slice3A_55 = vector.extract_strided_slice %get3A_54 {offsets = [0, 0], sizes = [16, 32768], strides = [1, 1]} : vector<32x32768xf32> to vector<16x32768xf32>
    %slice3A_56 = vector.extract_strided_slice %get3A_54 {offsets = [16, 0], sizes = [16, 32768], strides = [1, 1]} : vector<32x32768xf32> to vector<16x32768xf32>
    %slice3A_57 = vector.extract_strided_slice %slice3A_55 {offsets = [0, 0], sizes = [16, 4096], strides = [1, 1]} : vector<16x32768xf32> to vector<16x4096xf32>
    %slice3A_58 = vector.extract_strided_slice %slice3A_55 {offsets = [0, 4096], sizes = [16, 4096], strides = [1, 1]} : vector<16x32768xf32> to vector<16x4096xf32>
    %slice3A_59 = vector.extract_strided_slice %slice3A_55 {offsets = [0, 8192], sizes = [16, 4096], strides = [1, 1]} : vector<16x32768xf32> to vector<16x4096xf32>
    %slice3A_60 = vector.extract_strided_slice %slice3A_55 {offsets = [0, 12288], sizes = [16, 4096], strides = [1, 1]} : vector<16x32768xf32> to vector<16x4096xf32>
    %slice3A_61 = vector.extract_strided_slice %slice3A_55 {offsets = [0, 16384], sizes = [16, 4096], strides = [1, 1]} : vector<16x32768xf32> to vector<16x4096xf32>
    %slice3A_62 = vector.extract_strided_slice %slice3A_55 {offsets = [0, 20480], sizes = [16, 4096], strides = [1, 1]} : vector<16x32768xf32> to vector<16x4096xf32>
    %slice3A_63 = vector.extract_strided_slice %slice3A_55 {offsets = [0, 24576], sizes = [16, 4096], strides = [1, 1]} : vector<16x32768xf32> to vector<16x4096xf32>
    %slice3A_64 = vector.extract_strided_slice %slice3A_55 {offsets = [0, 28672], sizes = [16, 4096], strides = [1, 1]} : vector<16x32768xf32> to vector<16x4096xf32>
    %concatenate3A_65 = tpu.concatenate %slice3A_57, %slice3A_58, %slice3A_59, %slice3A_60, %slice3A_61, %slice3A_62, %slice3A_63, %slice3A_64 in 0 : vector<16x4096xf32>, vector<16x4096xf32>, vector<16x4096xf32>, vector<16x4096xf32>, vector<16x4096xf32>, vector<16x4096xf32>, vector<16x4096xf32>, vector<16x4096xf32> -> vector<128x4096xf32>
    %slice3A_66 = vector.extract_strided_slice %slice3A_56 {offsets = [0, 0], sizes = [16, 4096], strides = [1, 1]} : vector<16x32768xf32> to vector<16x4096xf32>
    %slice3A_67 = vector.extract_strided_slice %slice3A_56 {offsets = [0, 4096], sizes = [16, 4096], strides = [1, 1]} : vector<16x32768xf32> to vector<16x4096xf32>
    %slice3A_68 = vector.extract_strided_slice %slice3A_56 {offsets = [0, 8192], sizes = [16, 4096], strides = [1, 1]} : vector<16x32768xf32> to vector<16x4096xf32>
    %slice3A_69 = vector.extract_strided_slice %slice3A_56 {offsets = [0, 12288], sizes = [16, 4096], strides = [1, 1]} : vector<16x32768xf32> to vector<16x4096xf32>
    %slice3A_70 = vector.extract_strided_slice %slice3A_56 {offsets = [0, 16384], sizes = [16, 4096], strides = [1, 1]} : vector<16x32768xf32> to vector<16x4096xf32>
    %slice3A_71 = vector.extract_strided_slice %slice3A_56 {offsets = [0, 20480], sizes = [16, 4096], strides = [1, 1]} : vector<16x32768xf32> to vector<16x4096xf32>
    %slice3A_72 = vector.extract_strided_slice %slice3A_56 {offsets = [0, 24576], sizes = [16, 4096], strides = [1, 1]} : vector<16x32768xf32> to vector<16x4096xf32>
    %slice3A_73 = vector.extract_strided_slice %slice3A_56 {offsets = [0, 28672], sizes = [16, 4096], strides = [1, 1]} : vector<16x32768xf32> to vector<16x4096xf32>
    %concatenate3A_74 = tpu.concatenate %slice3A_66, %slice3A_67, %slice3A_68, %slice3A_69, %slice3A_70, %slice3A_71, %slice3A_72, %slice3A_73 in 0 : vector<16x4096xf32>, vector<16x4096xf32>, vector<16x4096xf32>, vector<16x4096xf32>, vector<16x4096xf32>, vector<16x4096xf32>, vector<16x4096xf32>, vector<16x4096xf32> -> vector<128x4096xf32>
    %transpose3A_75 = tpu.transpose %concatenate3A_65, [1, 0] : vector<128x4096xf32> -> vector<4096x128xf32>
    %bitcast_convert_type3A_76 = tpu.bitcast %transpose3A_75 : vector<4096x128xf32> -> vector<4096x128xi32>
    %transpose3A_77 = tpu.transpose %concatenate3A_74, [1, 0] : vector<128x4096xf32> -> vector<4096x128xf32>
    %bitcast_convert_type3A_78 = tpu.bitcast %transpose3A_77 : vector<4096x128xf32> -> vector<4096x128xi32>
    %add3A_79 = arith.constant 32767 : i32
    %add3A_80 = vector.broadcast %add3A_79 : i32 to vector<4096x128xi32>
    %add3A_81 = arith.addi %bitcast_convert_type3A_78, %add3A_80 : vector<4096x128xi32>
    %shift_right_arithmetic3A_82 = arith.constant 16 : i32
    %shift_right_arithmetic3A_83 = vector.broadcast %shift_right_arithmetic3A_82 : i32 to vector<4096x128xi32>
    %shift_right_arithmetic3A_84 = arith.shrsi %bitcast_convert_type3A_78, %shift_right_arithmetic3A_83 : vector<4096x128xi32>
    %and3A_85 = arith.constant 1 : i32
    %and3A_86 = vector.broadcast %and3A_85 : i32 to vector<4096x128xi32>
    %and3A_87 = arith.andi %shift_right_arithmetic3A_84, %and3A_86 : vector<4096x128xi32>
    %add3A_88 = arith.addi %add3A_81, %and3A_87 : vector<4096x128xi32>
    %shift_right_arithmetic3A_89 = arith.constant 16 : i32
    %shift_right_arithmetic3A_90 = vector.broadcast %shift_right_arithmetic3A_89 : i32 to vector<4096x128xi32>
    %shift_right_arithmetic3A_91 = arith.shrsi %add3A_88, %shift_right_arithmetic3A_90 : vector<4096x128xi32>
    %shift_left3A_92 = arith.constant 16 : i32
    %shift_left3A_93 = vector.broadcast %shift_left3A_92 : i32 to vector<4096x128xi32>
    %shift_left3A_94 = arith.shli %shift_right_arithmetic3A_91, %shift_left3A_93 : vector<4096x128xi32>
    %add3A_95 = arith.constant 32767 : i32
    %add3A_96 = vector.broadcast %add3A_95 : i32 to vector<4096x128xi32>
    %add3A_97 = arith.addi %bitcast_convert_type3A_76, %add3A_96 : vector<4096x128xi32>
    %shift_right_arithmetic3A_98 = arith.constant 16 : i32
    %shift_right_arithmetic3A_99 = vector.broadcast %shift_right_arithmetic3A_98 : i32 to vector<4096x128xi32>
    %shift_right_arithmetic3A_100 = arith.shrsi %bitcast_convert_type3A_76, %shift_right_arithmetic3A_99 : vector<4096x128xi32>
    %and3A_101 = arith.constant 1 : i32
    %and3A_102 = vector.broadcast %and3A_101 : i32 to vector<4096x128xi32>
    %and3A_103 = arith.andi %shift_right_arithmetic3A_100, %and3A_102 : vector<4096x128xi32>
    %add3A_104 = arith.addi %add3A_97, %and3A_103 : vector<4096x128xi32>
    %shift_right_arithmetic3A_105 = arith.constant 16 : i32
    %shift_right_arithmetic3A_106 = vector.broadcast %shift_right_arithmetic3A_105 : i32 to vector<4096x128xi32>
    %shift_right_arithmetic3A_107 = arith.shrsi %add3A_104, %shift_right_arithmetic3A_106 : vector<4096x128xi32>
    %and3A_108 = arith.constant 65535 : i32
    %and3A_109 = vector.broadcast %and3A_108 : i32 to vector<4096x128xi32>
    %and3A_110 = arith.andi %shift_right_arithmetic3A_107, %and3A_109 : vector<4096x128xi32>
    %or3A_111 = arith.ori %shift_left3A_94, %and3A_110 : vector<4096x128xi32>
    %swap3A_112 = arith.constant 0 : index
    %swap3A_113 = arith.constant 0 : index
    %swap3A_114 = vector.load %arg4[%swap3A_112, %swap3A_113] : memref<4096x128xi32, #tpu.memory_space<vmem>>, vector<4096x128xi32>
    tpu.vector_store %arg4[%swap3A_112, %swap3A_113], %or3A_111 {strides = array<i32>} : memref<4096x128xi32, #tpu.memory_space<vmem>>, vector<4096x128xi32>,
    return
  }
  func.func @transform_0(%arg0: i32) -> (i32, i32) {
    %c0_i32 = arith.constant 0 : i32
    %c0_i32_0 = arith.constant 0 : i32
    return %c0_i32, %arg0 : i32, i32
  }
  func.func @transform_1(%arg0: i32) -> (i32, i32) {
    %c0_i32 = arith.constant 0 : i32
    %c0_i32_0 = arith.constant 0 : i32
    return %c0_i32, %arg0 : i32, i32
  }
  func.func @transform_2(%arg0: i32) -> (i32, i32) {
    %c0_i32 = arith.constant 0 : i32
    %c0_i32_0 = arith.constant 0 : i32
    return %arg0, %c0_i32 : i32, i32
  }
  func.func @transform_3(%arg0: i32) -> (i32, i32) {
    %c0_i32 = arith.constant 0 : i32
    %c0_i32_0 = arith.constant 0 : i32
    return %arg0, %c0_i32 : i32, i32
  }
}

</mosaic_0001>

<sc_bundles>
// kernel: kernel.5.cloned.1.call-start
scs
__scs_entry_jumppad:
0x0: {  	(pc) =	sbr.rel $0x88, $3  }
0x1: {  	(tag) =	ssettag $0x0;
	lr =	simm.s32 $0x1  }
0x2: {  	[smem:$0x3F9C] =	sst lr;
	_ =	strace $0xD0000000  }
0x3: {  	_ = 	snop  }
0x4: {  	_ = 	snop  }
0x5: {  	_ = 	snop  }
0x6: {  	_ = 	snop  }
0x7: {  	_ = 	snop  }
__scs_overlays_trampoline_lowered:
0x8: {  	[smem:$0x3FAB] =	sst s0  }
0x9: {  	[smem:$0x3FAC] =	sst s1  }
0xa: {  	[smem:$0x3FAD] =	sst s2  }
0xb: {  	[smem:$0x3FAE] =	sst s3  }
0xc: {  	[smem:$0x3FAF] =	sst s4  }
0xd: {  	[smem:$0x3FB0] =	sst s5  }
0xe: {  	[smem:$0x3FB1] =	sst s6  }
0xf: {  	[smem:$0x3FB2] =	sst s7  }
0x10: {  	[smem:$0x3FB3] =	sst s8  }
0x11: {  	[smem:$0x3FB4] =	sst s9;
	s0 =	simm.s32 @!p0 $0x0  }
0x12: {  	s1 =	sld [smem:$0x3F9A];
	s0 =	simm.s32 @p0 $0x1  }
0x13: {  	[smem:$0x3FB5] =	sst s0;
	s0 =	simm.s32 @!p1 $0x0  }
0x14: {  	s2 =	sld [smem:$0x3F99];
	s0 =	simm.s32 @p1 $0x1  }
0x15: {  	[smem:$0x3FB6] =	sst s0;
	s0 =	simm.s32 @!p2 $0x0  }
0x16: {  	s3 =	sld [smem:$0x3FDB];
	s0 =	simm.s32 @p2 $0x1  }
0x17: {  	s4 =	simm.s32 $0x1BF5;
	[smem:$0x3FB8] =	sst s0  }
0x18: {  	s0 =	sld [smem:$0x3F9B];
	_ =	swait.ge [sflag:s4], $0x0  }
0x19: {  	s7 =	sld [smem:$0x3F9C]  }
0x1a: {  	s8 =	sadd.s32 $0xFFFFE003, lr  }
0x1b: {  	s9 =	sadd.s32 $0xFFFFFEF7, lr;
	s5 =	simm.s32 $0xFFFFFFFF;
	p2 =	slt.u32 s8, $0xFFFFF086  }
0x1c: {  	p1 =	slt.u32 s9, $0xF7A;
	s5 =	simm.s32 @!p2 $0x0  }
0x1d: {  	s5 =	simm.s32 @p1 $0x1;
	p0 =	seq.s32 s7, s2  }
0x1e: {  	s7 =	smul.u32 @!p0 $0xF7A, s2;
	p2 =	seq.s32 @!p0 s5, $0x0  }
0x1f: {  	s9 =	smul.u32 $0xF7A, s1;
	s8 =	simm.s32 @!p0 $0x1BF5;
	p2 =	por !p2, p0  }
0x20: {  	[sflag:s8] =	ssyncset.s32 @!p0 $0xFFFFF086;
	s6 =	sadd.s32 @!p0 s3, s7;
	s7 =	simm.s32 @!p0 $0x108  }
0x21: {  	s3 =	sadd.s32 s3, s9;
	s6 =	sadd.s32 @!p0 $0x88, s6;
	s7 =	simm.s32 @p2 $0x1082  }
0x22: {  	[simem:s7], [sflag:s8] =	dma.local @!p0 [hbm:s6], $0xF7A  }
0x23: {  	s9 =	sor.u32 $0xD0000000, s2;
	s6 =	simm.s32 $0x108;
	_ =	swait.ge @!p0 [sflag:s8], $0x0  }
0x24: {  	s3 =	sadd.s32 $0x88, s3;
	s6 =	simm.s32 @!p1 $0x1082;
	[sflag:s4] =	ssyncset.s32 $0xFFFFF086  }
0x25: {  	[simem:s6], [sflag:s4] =	dma.local [hbm:s3], $0xF7A  }
0x26: {  	[smem:$0x3F9C] =	sst s1;
	(tag) =	ssettag s2;
	_ =	strace s9  }
0x27: {  	s1 =	sld [smem:$0x3FAC]  }
0x28: {  	s2 =	sld [smem:$0x3FAD]  }
0x29: {  	s4 =	sld [smem:$0x3FAF]  }
0x2a: {  	p0 =	seq.s32 s5, $0x0;
	s5 =	sld [smem:$0x3FB0]  }
0x2b: {  	s6 =	sld [smem:$0x3FB1]  }
0x2c: {  	s7 =	sld [smem:$0x3FB2]  }
0x2d: {  	s3 =	simm.s32 $0x108;
	s8 =	sld [smem:$0x3FB3]  }
0x2e: {  	s3 =	simm.s32 @!p0 $0x1082;
	s9 =	sld [smem:$0x3FB4]  }
0x2f: {  	lr =	sadd.s32 s0, s3;
	s0 =	sld [smem:$0x3FAB]  }
0x30: {  	s3 =	sld [smem:$0x3FAE]  }
0x31: {  	[smem:$0x3FB7] =	sst s10  }
0x32: {  	s10 =	sld [smem:$0x3FB5];
	_ =	sdelay $0x3  }
0x33: {  	p0 =	seq.s32 s10, $0x1;
	s10 =	sld [smem:$0x3FB7];
	_ =	sdelay $0x3  }
0x34: {  	[smem:$0x3FB7] =	sst s10  }
0x35: {  	s10 =	sld [smem:$0x3FB6];
	_ =	sdelay $0x3  }
0x36: {  	p1 =	seq.s32 s10, $0x1;
	s10 =	sld [smem:$0x3FB7];
	_ =	sdelay $0x3  }
0x37: {  	[smem:$0x3FB7] =	sst s10  }
0x38: {  	s10 =	sld [smem:$0x3FB8]  }
0x39: {  	_ = 	snop;
	(pc) =	sbr.ind lr, $3  }
0x3a: {  	_ = 	snop  }
0x3b: {  	_ = 	snop  }
0x3c: {  	p2 =	seq.s32 s10, $0x1;
	s10 =	sld [smem:$0x3FB7]  }
0x3d: {  	_ =	shalt  }
0x3e: {  	_ =	shalt  }
0x3f: {  	_ =	shalt  }
0x40: {  	_ =	shalt  }
0x41: {  	_ =	shalt  }
0x42: {  	_ =	shalt  }
0x43: {  	_ =	shalt  }
0x44: {  	_ =	shalt  }
0x45: {  	_ =	shalt  }
0x46: {  	_ =	shalt  }
0x47: {  	_ =	shalt  }
0x48: {  	_ =	shalt  }
0x49: {  	_ =	shalt  }
0x4a: {  	_ =	shalt  }
0x4b: {  	_ =	shalt  }
0x4c: {  	_ =	shalt  }
0x4d: {  	_ =	shalt  }
0x4e: {  	_ =	shalt  }
0x4f: {  	_ =	shalt  }
0x50: {  	_ =	shalt  }
0x51: {  	_ =	shalt  }
0x52: {  	_ =	shalt  }
0x53: {  	_ =	shalt  }
0x54: {  	_ =	shalt  }
0x55: {  	_ =	shalt  }
0x56: {  	_ =	shalt  }
0x57: {  	_ =	shalt  }
0x58: {  	_ =	shalt  }
0x59: {  	_ =	shalt  }
0x5a: {  	_ =	shalt  }
0x5b: {  	_ =	shalt  }
0x5c: {  	_ =	shalt  }
0x5d: {  	_ =	shalt  }
0x5e: {  	_ =	shalt  }
0x5f: {  	_ =	shalt  }
0x60: {  	_ =	shalt  }
0x61: {  	_ =	shalt  }
0x62: {  	_ =	shalt  }
0x63: {  	_ =	shalt  }
0x64: {  	_ =	shalt  }
0x65: {  	_ =	shalt  }
0x66: {  	_ =	shalt  }
0x67: {  	_ =	shalt  }
0x68: {  	_ =	shalt  }
0x69: {  	_ =	shalt  }
0x6a: {  	_ =	shalt  }
0x6b: {  	_ =	shalt  }
0x6c: {  	_ =	shalt  }
0x6d: {  	_ =	shalt  }
0x6e: {  	_ =	shalt  }
0x6f: {  	_ =	shalt  }
0x70: {  	_ =	shalt  }
0x71: {  	_ =	shalt  }
0x72: {  	_ =	shalt  }
0x73: {  	_ =	shalt  }
0x74: {  	_ =	shalt  }
0x75: {  	_ =	shalt  }
0x76: {  	_ =	shalt  }
0x77: {  	_ =	shalt  }
0x78: {  	_ =	shalt  }
0x79: {  	_ =	shalt  }
0x7a: {  	_ =	shalt  }
0x7b: {  	_ =	shalt  }
0x7c: {  	_ =	shalt  }
0x7d: {  	_ =	shalt  }
0x7e: {  	_ =	shalt  }
0x7f: {  	_ =	shalt  }
0x80: {  	_ =	shalt  }
0x81: {  	_ =	shalt  }
0x82: {  	_ =	shalt  }
0x83: {  	_ =	shalt  }
0x84: {  	_ =	shalt  }
0x85: {  	_ =	shalt  }
0x86: {  	_ =	shalt  }
0x87: {  	_ =	shalt  }
.Lfunc_end0:
.L_simem_size_0:
called_computation_lowered:
.L_overlay_start_0:
0x88: {  	s2 =	sld [smem:$0x3FD9]  }
0x89: {  	s3 =	sld [smem:$0x3FFE];
	_ =	sdelay $0x1  }
0x8a: {  	s1 =	srdreg.scid  }
0x8b: {  	s0 =	sand.u32 $0x1, s1  }
0x8c: {  	s17 =	sshll.u32 s0, $0xA;
	s2 =	sadd.s32 s3, s2  }
0x8d: {  	s2 =	sadd.s32 s2, s17  }
0x8e: {  	[smem:$0x3FC3] =	sst s2  }
0x8f: {  	_ = 	snop  }
0x90: {  	s2 =	sld [smem:$0x3FC9]  }
0x91: {  	s18 =	sld [smem:$0x3FC8];
	(tm) =	ssettm $0x1  }
0x92: {  	s4 =	sld [smem:$0x3FFB];
	_ =	sdelay $0x3  }
0x93: {  	_ =	strace s4  }
0x94: {  	s4 =	sld [smem:$0x3FFC];
	_ =	sdelay $0x3  }
0x95: {  	_ =	strace s4  }
0x96: {  	s4 =	sld [smem:$0x3FFD];
	_ =	sdelay $0x3  }
0x97: {  	_ =	strace s4  }
0x98: {  	_ =	strace $0x8FFFFFFF  }
0x99: {  	s19 =	sld [smem:$0x3FDB];
	_ =	sdelay $0x1  }
0x9a: {  	s5 =	simm.s32 $_scs_section_size  }
0x9b: {  	s6 =	simm.s32 $_size__tile_overlayer_lowered;
	s7 =	simm.s32 $_tile_overlayer_lowered  }
0x9c: {  	s22 =	simm.s32 $0x1BFF;
	s21 =	sshll.u32 s7, $0x1;
	s4 =	sadd.s32 s5, s19  }
0x9d: {  	s8 =	simm.s32 $0x0;
	s20 =	sshll.u32 s6, $0x1;
	s6 =	sadd.s32 s21, s4  }
0x9e: {  	[timem:s8], [sflag:s22] =	dma.local [hbm:s6], s20  }
0x9f: {  	_ =	swait.ge [sflag:s22], s20  }
0xa0: {  	s5 =	ssub.s32 $0x0, s20;
	[sflag:s22] =	ssyncset.done $0x0  }
0xa1: {  	[sflag:s22] =	ssyncadd.s32 s5;
	_ =	sdelay $0x1  }
0xa2: {  	s23 =	simm.s32 $0x1B8B  }
0xa3: {  	_ =	swait.ge [sflag:s23], $0x1  }
0xa4: {  	[sflag:s23] =	ssyncset.done $0x0  }
0xa5: {  	s25 =	simm.s32 $0x1B8E;
	s24 =	sld [smem:$0x3FFE];
	[sflag:s23] =	ssyncadd.s32 $0xFFFFFFFF  }
0xa6: {  	s26 =	simm.s32 $execute0_lowered;
	[smem:$0x3FD2] =	sst s25  }
0xa7: {  	s6 =	sshll.u32 s26, $0x1;
	_ =	strace $0x80000046;
	[dreg:$0x1] =	wrdreg $0xFFFFFFFF  }
0xa8: {  	s28 =	simm.s32 $_size_execute0_lowered;
	s4 =	sadd.s32 s4, s6;
	[dreg:$0x0] =	wrdreg $0x0  }
0xa9: {  	s6 =	sshll.u32 s28, $0x1;
	[dreg:$0x2] =	wrdreg s4  }
0xaa: {  	[dreg:$0x3] =	wrdreg s6  }
0xab: {  	[dreg:$0x4] =	wrdreg $0xC0  }
0xac: {  	_ =	task [dreg:s8], $0x5FFFF  }
0xad: {  	[dreg:$0x1] =	wrdreg $0xFFFFFFFF  }
0xae: {  	[dreg:$0x0] =	wrdreg $0x60  }
0xaf: {  	[dreg:$0x2] =	wrdreg s2  }
0xb0: {  	[dreg:$0x3] =	wrdreg s18  }
0xb1: {  	[dreg:$0x4] =	wrdreg s24  }
0xb2: {  	[dreg:$0x5] =	wrdreg $0x9  }
0xb3: {  	_ =	task.clear_ibuf [dreg:s8], $0x6FFFF;
	_ =	strace $0x90000046  }
0xb4: {  	s29 =	simm.s32 $0x9;
	_ =	strace $0x80000048  }
0xb5: {  	_ =	swait.ge [sflag:s29], $0x1  }
0xb6: {  	[sflag:s29] =	ssyncadd.s32 $0xFFFFFFFF  }
0xb7: {  	_ =	strace $0x90000048  }
0xb8: {  	_ =	sfence  }
0xb9: {  	s30 =	sld [smem:$0x0];
	_ =	sdelay $0x2  }
0xba: {  	s31 =	sshll.u32 s1, $0xD;
	s1 =	sshrl.u32 s1, $0x2  }
0xbb: {  	s3 =	sand.u32 $0x4000, s31;
	s1 =	sadd.s32 s1, s30  }
0xbc: {  	s0 =	sor.u32 s3, s0;
	s1 =	sshll.u32 s1, $0x11  }
0xbd: {  	s0 =	sor.u32 s1, s0  }
0xbe: {  	s0 =	sadd.s32 $0x8F2B, s0  }
0xbf: {  	[sflag:s0] =	ssyncadd.remote.s32 $0x1  }
0xc0: {  	_ =	sfence.sel $0xFFFF  }
0xc1: {  	[dreg:$0x0] =	wrdreg $0xFFFFFFFF;
	(pc) =	sbr.abs _section_cstart, $3  }
0xc2: {  	[dreg:$0x1] =	wrdreg $0xFFFFFFFF  }
0xc3: {  	_ =	task.clear_ibuf [dreg:s8], $0x2FFFF;
	_ =	strace $0x9FFFFFFF  }
0xc4: {  	(tm) =	ssettm $0x7FFFFFFF  }
0xc5: {  	_ =	shalt  }
tec
execute0_lowered:
.L_overlay_start_1:
0x0: {  	(tag) =	ssettag $0x1  }
0x1: {  	s5 =	rddreg [dreg:$0x0]  }
0x2: {  	s1 =	srdreg.scid;
	s6 =	rddreg [dreg:$0x1]  }
0x3: {  	s0 =	stileid.u32;
	s7 =	rddreg [dreg:$0x2]  }
0x4: {  	s2 =	simm.s32 $0x0;
	s13 =	simm.s32 $0xE00;
	s14 =	simm.s32 $0x2E00  }
0x5: {  	s15 =	simm.s32 $0xA00;
	s16 =	simm.s32 $0x4E00;
	s17 =	simm.s32 $0x2  }
0x6: {  	s18 =	simm.s32 $0xEE00;
	s19 =	simm.s32 $0x3;
	s20 =	simm.s32 $0x0  }
0x7: {  	s4 =	sand.u32 $0x1, s1;
	s31 =	sshll.u32 s0, $0x1;
	[smem:$0x7FF] =	sst s2  }
0x8: {  	s1 =	rddreg [dreg:$0x3];
	s8 =	sor.u32 s4, s31;
	_ =	strace $0x80000047  }
0x9: {  	s11 =	ssub.s32 $0x2, s4;
	s4 =	sadd.s32 $0x1F3000, s7;
	s3 =	smul.u32 $0x140, s8  }
0xa: {  	s10 =	smul.u32 $0x180, s8;
	s12 =	sshrl.u32 s11, $0x1;
	s8 =	sshll.u32 s8, $0x6  }
0xb: {  	s11 =	ssub.s32 s11, s12;
	s5 =	sadd.s32 s5, s8;
	s6 =	sadd.s32 s6, s8  }
0xc: {  	s12 =	simm.s32 $0x1;
	s9 =	sadd.s32 s3, s7;
	s10 =	sadd.s32 s10, s7  }
0xd: {  	v0 =	vlaneseq.u32;
	s3 =	sadd.s32 $0x3000, s7;
	s7 =	sadd.s32 $0x800, s9;
	s8 =	sadd.s32 $0x3E3000, s10  }
0xe: {  	v1 =	vmul.u32 $0x10, v0;
	s9 =	smax.u32 s11, $0x1;
	s10 =	simm.s32 $0x200;
	s11 =	simm.s32 $0x400  }
.LBB2_1:
0xf: {  	[tilespmem:s2], [sflag:$0x1] =	stream.linear.gather [hbm4b:s5+s2], $0x200, $0x38;
	[tilespmem:$0xFA00] =	vst v63  }
0x10: {  	_ = 	snop  }
0x11: {  	[tilespmem:s10], [sflag:$0x1] =	stream.linear.gather [hbm4b:s6+s2], $0x200, $0x38;
	[tilespmem:$0xFA00] =	vst v63  }
0x12: {  	_ = 	snop  }
0x13: {  	[tilespmem:s11], [sflag:$0x1] =	stream.linear.gather [hbm4b:s7+s2], $0xA00, $0x38;
	[tilespmem:$0xFA00] =	vst v63  }
0x14: {  	_ =	swait.ge [sflag:s12], $0x200  }
0x15: {  	[sflag:s12] =	ssyncset.done $0x0  }
0x16: {  	[sflag:s12] =	ssyncadd.s32 $0xFFFFFE00  }
0x17: {  	_ =	swait.ge [sflag:s12], $0x200  }
0x18: {  	[sflag:s12] =	ssyncset.done $0x0  }
0x19: {  	[sflag:s12] =	ssyncadd.s32 $0xFFFFFE00  }
0x1a: {  	_ =	swait.ge [sflag:s12], $0xA00  }
0x1b: {  	[sflag:s12] =	ssyncset.done $0x0  }
0x1c: {  	s21 =	simm.s32 $0x0;
	s22 =	simm.s32 $0x40;
	[sflag:s12] =	ssyncadd.s32 $0xFFFFF600  }
.LBB2_2:
0x1d: {  	p0 =	sne.s32 s22, $0x7C0;
	v2 =	vld [tilespmem:s21+$0x0];
	_ =	sdelay $0x4  }
.Ltmp0:
0x1e: {  	v3 =	vshll.u32 v2, $0x3;
	(pc) =	sbr.rel @p0 .LBB2_2-.Ltmp0, $4  }
0x1f: {  	v4 =	vand.u32 $0xFFFF8000, v2;
	v2 =	vshrl.u32 v2, $0xC;
	v3 =	vand.u32 $0x7FF8, v3  }
0x20: {  	v2 =	vand.u32 $0x7, v2;
	v3 =	vor.u32 v4, v3  }
0x21: {  	v2 =	vor.u32 v2, v3  }
0x22: {  	[tilespmem:s21+$0x0] =	vst v2;
	s21 =	sshra.s32 s22, $0x2;
	s22 =	sadd.s32 $0x40, s22  }
0x23: {  	v2 =	vld [tilespmem:s21+$0x0];
	_ =	sdelay $0x4  }
0x24: {  	v3 =	vshll.u32 v2, $0x3  }
0x25: {  	v4 =	vand.u32 $0xFFFF8000, v2;
	v2 =	vshrl.u32 v2, $0xC;
	v3 =	vand.u32 $0x7FF8, v3  }
0x26: {  	v2 =	vand.u32 $0x7, v2;
	v3 =	vor.u32 v4, v3  }
0x27: {  	v2 =	vor.u32 v2, v3  }
0x28: {  	s31 =	simm.s32 $0x0;
	s22 =	simm.s32 $0x40;
	[tilespmem:s21+$0x0] =	vst v2;
	s21 =	simm.s32 $0x0  }
0x29: {  	[tilespmem:s13], [sflag:$0x1] =	stream.indirect.gather [hbm4b:s3+s10], $0x10, s31, s10, $0xb8;
	[tilespmem:$0xFA00] =	vst v63  }
.LBB2_4:
0x2a: {  	p0 =	sne.s32 s22, $0x7C0;
	v2 =	vld [tilespmem:s21+$0x200];
	_ =	sdelay $0x4  }
.Ltmp1:
0x2b: {  	v3 =	vshll.u32 v2, $0x3;
	(pc) =	sbr.rel @p0 .LBB2_4-.Ltmp1, $4  }
0x2c: {  	v4 =	vand.u32 $0xFFFF8000, v2;
	v2 =	vshrl.u32 v2, $0xC;
	v3 =	vand.u32 $0x7FF8, v3  }
0x2d: {  	v2 =	vand.u32 $0x7, v2;
	v3 =	vor.u32 v4, v3  }
0x2e: {  	v2 =	vor.u32 v2, v3  }
0x2f: {  	[tilespmem:s21+$0x200] =	vst v2;
	s21 =	sshra.s32 s22, $0x2;
	s22 =	sadd.s32 $0x40, s22  }
0x30: {  	v2 =	vld [tilespmem:s21+$0x200];
	_ =	sdelay $0x4  }
0x31: {  	v3 =	vshll.u32 v2, $0x3  }
0x32: {  	v4 =	vand.u32 $0xFFFF8000, v2;
	v2 =	vshrl.u32 v2, $0xC;
	v3 =	vand.u32 $0x7FF8, v3  }
0x33: {  	v2 =	vand.u32 $0x7, v2;
	v3 =	vor.u32 v4, v3  }
0x34: {  	v2 =	vor.u32 v2, v3  }
0x35: {  	s22 =	simm.s32 $0x40;
	[tilespmem:s21+$0x200] =	vst v2;
	s21 =	simm.s32 $0x0  }
0x36: {  	[tilespmem:s14], [sflag:$0x1] =	stream.indirect.gather [hbm4b:s4+s10], $0x10, s10, s10, $0xb8;
	[tilespmem:$0xFA00] =	vst v63  }
.LBB2_6:
0x37: {  	p0 =	sne.s32 s22, $0x27C0;
	v2 =	vld [tilespmem:s21+$0x400];
	_ =	sdelay $0x4  }
.Ltmp2:
0x38: {  	v3 =	vshll.u32 v2, $0x3;
	(pc) =	sbr.rel @p0 .LBB2_6-.Ltmp2, $4  }
0x39: {  	v4 =	vand.u32 $0xFFFF8000, v2;
	v2 =	vshrl.u32 v2, $0xC;
	v3 =	vand.u32 $0x7FF8, v3  }
0x3a: {  	v2 =	vand.u32 $0x7, v2;
	v3 =	vor.u32 v4, v3  }
0x3b: {  	v2 =	vor.u32 v2, v3  }
0x3c: {  	[tilespmem:s21+$0x400] =	vst v2;
	s21 =	sshra.s32 s22, $0x2;
	s22 =	sadd.s32 $0x40, s22  }
0x3d: {  	v2 =	vld [tilespmem:s21+$0x400];
	_ =	sdelay $0x4  }
0x3e: {  	v3 =	vshll.u32 v2, $0x3  }
0x3f: {  	v4 =	vand.u32 $0xFFFF8000, v2;
	v2 =	vshrl.u32 v2, $0xC;
	v3 =	vand.u32 $0x7FF8, v3  }
0x40: {  	v2 =	vand.u32 $0x7, v2;
	v3 =	vor.u32 v4, v3  }
0x41: {  	v2 =	vor.u32 v2, v3  }
0x42: {  	[tilespmem:s21+$0x400] =	vst v2  }
0x43: {  	[tilespmem:s16], [sflag:$0x2] =	stream.indirect.gather [hbm4b:s4+s15], $0x10, s11, s15, $0xb8;
	[tilespmem:$0xFA00] =	vst v63  }
0x44: {  	_ =	swait.ge [sflag:s12], $0x2000  }
0x45: {  	[sflag:s12] =	ssyncset.done $0x0  }
0x46: {  	[sflag:s12] =	ssyncadd.s32 $0xFFFFE000  }
0x47: {  	_ =	swait.ge [sflag:s12], $0x2000  }
0x48: {  	[sflag:s12] =	ssyncset.done $0x0  }
0x49: {  	s22 =	simm.s32 $0x0;
	s21 =	simm.s32 $0x0;
	[sflag:s12] =	ssyncadd.s32 $0xFFFFE000  }
.LBB2_8:
0x4a: {  	s23 =	sshll.u32 s22, $0x4;
	v2 =	vmov s21  }
0x4b: {  	v3 =	vmov s23;
	v2 =	vand.u32 $0xC, v2  }
0x4c: {  	v3 =	vshll.u32 v3, $0x4;
	v4 =	vbroadcast v2, $0x0  }
0x4d: {  	s24 =	simm.s32 $0x1;
	v2 =	vor.u32 v1, v3  }
0x4e: {  	v3 =	vor.u32 v2, v4;
	v4 =	vmov s24  }
0x4f: {  	v4 =	vand.u32 $0xD, v4  }
0x50: {  	s30 =	simm.s32 $0x2;
	v4 =	vbroadcast v4, $0x0  }
0x51: {  	v5 =	vmov s30  }
0x52: {  	v6 =	vand.u32 $0xE, v5;
	v8 =	vor.u32 v2, v4  }
0x53: {  	v4 =	vbroadcast v6, $0x0;
	v5 =	vld.idx.msk [tilespmem:v3+s13+$0x0], $0xffff  }
0x54: {  	s31 =	simm.s32 $0x3;
	v7 =	vld.idx.msk [tilespmem:v3+s14+$0x0], $0xffff  }
0x55: {  	v3 =	vmov s31;
	v9 =	vor.u32 v2, v4  }
0x56: {  	v3 =	vand.u32 $0xF, v3  }
0x57: {  	s24 =	simm.s32 $0x4;
	v3 =	vbroadcast v3, $0x0;
	v4 =	vld.idx.msk [tilespmem:v8+s13+$0x0], $0xffff  }
0x58: {  	v11 =	vmov s24;
	v6 =	vld.idx.msk [tilespmem:v8+s14+$0x0], $0xffff  }
0x59: {  	v8 =	vor.u32 v2, v3;
	v13 =	vunpack.i.l.bf16.f32 v5;
	v14 =	vunpack.i.l.bf16.f32 v7  }
0x5a: {  	v10 =	vimm.f32 $0.0e+00;
	s25 =	simm.s32 $0x8;
	v12 =	vand.u32 $0xC, v11;
	v11 =	vmul.f32 v14, v13;
	v3 =	vld.idx.msk [tilespmem:v9+s13+$0x0], $0xffff  }
.LBB2_9:
0x5b: {  	p0 =	sne.s32 s25, $0xC;
	v12 =	vbroadcast v12, $0x0;
	s26 =	sadd.s32 $0x1, s24;
	v5 =	vunpack.i.u.bf16.f32 v5;
	v7 =	vunpack.i.u.bf16.f32 v7;
	v9 =	vld.idx.msk [tilespmem:v9+s14+$0x0], $0xffff  }
0x5c: {  	v13 =	vmov s26;
	v10 =	vsub.f32 v10, v11;
	v5 =	vmul.f32 v7, v5  }
0x5d: {  	v11 =	vunpack.i.l.bf16.f32 v4;
	v7 =	vor.u32 v2, v12;
	v12 =	vunpack.i.l.bf16.f32 v6  }
0x5e: {  	v13 =	vand.u32 $0xD, v13;
	v5 =	vsub.f32 v10, v5;
	v10 =	vmul.f32 v12, v11;
	v11 =	vld.idx.msk [tilespmem:v8+s13+$0x0], $0xffff  }
0x5f: {  	s26 =	sadd.s32 $0x2, s24;
	v4 =	vunpack.i.u.bf16.f32 v4;
	v6 =	vunpack.i.u.bf16.f32 v6;
	v12 =	vbroadcast v13, $0x0;
	v8 =	vld.idx.msk [tilespmem:v8+s14+$0x0], $0xffff  }
0x60: {  	v13 =	vmov s26;
	v4 =	vmul.f32 v6, v4;
	v10 =	vsub.f32 v5, v10  }
0x61: {  	v6 =	vor.u32 v2, v12;
	v12 =	vunpack.i.l.bf16.f32 v3;
	v14 =	vunpack.i.l.bf16.f32 v9  }
0x62: {  	v13 =	vand.u32 $0xE, v13;
	v5 =	vld.idx.msk [tilespmem:v7+s13+$0x0], $0xffff;
	v4 =	vsub.f32 v10, v4;
	v10 =	vmul.f32 v14, v12  }
0x63: {  	s26 =	sadd.s32 $0x3, s24;
	s24 =	smov.u32 s25;
	v3 =	vunpack.i.u.bf16.f32 v3;
	v9 =	vunpack.i.u.bf16.f32 v9;
	v12 =	vbroadcast v13, $0x0;
	v7 =	vld.idx.msk [tilespmem:v7+s14+$0x0], $0xffff  }
0x64: {  	v3 =	vmul.f32 v9, v3;
	v13 =	vmov s26;
	v10 =	vsub.f32 v4, v10  }
0x65: {  	v9 =	vor.u32 v2, v12;
	v12 =	vunpack.i.l.bf16.f32 v11;
	v14 =	vunpack.i.l.bf16.f32 v8  }
.Ltmp3:
0x66: {  	v13 =	vand.u32 $0xF, v13;
	v4 =	vld.idx.msk [tilespmem:v6+s13+$0x0], $0xffff;
	v3 =	vsub.f32 v10, v3;
	v10 =	vmul.f32 v14, v12;
	(pc) =	sbr.rel @p0 .LBB2_9-.Ltmp3, $4  }
0x67: {  	v11 =	vunpack.i.u.bf16.f32 v11;
	v8 =	vunpack.i.u.bf16.f32 v8;
	v12 =	vbroadcast v13, $0x0;
	v6 =	vld.idx.msk [tilespmem:v6+s14+$0x0], $0xffff  }
0x68: {  	v13 =	vmov s25;
	v14 =	vmul.f32 v8, v11;
	v10 =	vsub.f32 v3, v10  }
0x69: {  	v3 =	vunpack.i.l.bf16.f32 v5;
	v11 =	vunpack.i.l.bf16.f32 v7;
	v8 =	vor.u32 v2, v12  }
0x6a: {  	s25 =	sadd.s32 $0x4, s25;
	v12 =	vand.u32 $0xC, v13;
	v11 =	vmul.f32 v11, v3;
	v3 =	vld.idx.msk [tilespmem:v9+s13+$0x0], $0xffff;
	v10 =	vsub.f32 v10, v14  }
0x6b: {  	_ =	sdelay $0x2  }
0x6c: {  	v5 =	vunpack.i.u.bf16.f32 v5;
	v7 =	vunpack.i.u.bf16.f32 v7  }
0x6d: {  	v12 =	vbroadcast v12, $0x0;
	s25 =	sadd.s32 $0x1, s24;
	v9 =	vld.idx.msk [tilespmem:v9+s14+$0x0], $0xffff;
	v10 =	vsub.f32 v10, v11;
	v5 =	vmul.f32 v7, v5  }
0x6e: {  	v28 =	vunpack.i.l.bf16.f32 v4;
	v27 =	vmov s25;
	v13 =	vunpack.i.l.bf16.f32 v6  }
0x6f: {  	v12 =	vor.u32 v2, v12;
	v29 =	vmul.f32 v13, v28;
	v5 =	vsub.f32 v10, v5  }
0x70: {  	v30 =	vld.idx.msk [tilespmem:v8+s13+$0x0], $0xffff;
	v31 =	vunpack.i.u.bf16.f32 v4;
	v32 =	vunpack.i.u.bf16.f32 v6;
	v7 =	vand.u32 $0xD, v27  }
0x71: {  	s30 =	sadd.s32 $0x2, s24;
	v33 =	vld.idx.msk [tilespmem:v8+s14+$0x0], $0xffff;
	v4 =	vmul.f32 v32, v31;
	v7 =	vbroadcast v7, $0x0;
	v5 =	vsub.f32 v5, v29  }
0x72: {  	v34 =	vmov s30;
	v35 =	vunpack.i.l.bf16.f32 v3;
	v36 =	vunpack.i.l.bf16.f32 v9  }
0x73: {  	v7 =	vor.u32 v2, v7;
	v37 =	vmul.f32 v36, v35;
	v4 =	vsub.f32 v5, v4  }
0x74: {  	v6 =	vand.u32 $0xE, v34;
	v3 =	vunpack.i.u.bf16.f32 v3;
	v9 =	vunpack.i.u.bf16.f32 v9;
	v38 =	vld.idx.msk [tilespmem:v12+s13+$0x0], $0xffff  }
0x75: {  	s31 =	sadd.s32 $0x3, s24;
	v6 =	vbroadcast v6, $0x0;
	v3 =	vmul.f32 v9, v3;
	v12 =	vld.idx.msk [tilespmem:v12+s14+$0x0], $0xffff;
	v4 =	vsub.f32 v4, v37  }
0x76: {  	v39 =	vmov s31;
	v40 =	vunpack.i.l.bf16.f32 v30;
	v41 =	vunpack.i.l.bf16.f32 v33  }
0x77: {  	v6 =	vor.u32 v2, v6;
	v42 =	vmul.f32 v41, v40;
	v3 =	vsub.f32 v4, v3  }
0x78: {  	v11 =	vunpack.i.u.bf16.f32 v30;
	v8 =	vunpack.i.u.bf16.f32 v33;
	v5 =	vand.u32 $0xF, v39;
	v43 =	vld.idx.msk [tilespmem:v7+s13+$0x0], $0xffff  }
0x79: {  	v44 =	vmul.f32 v8, v11;
	v5 =	vbroadcast v5, $0x0;
	v7 =	vld.idx.msk [tilespmem:v7+s14+$0x0], $0xffff;
	v3 =	vsub.f32 v3, v42  }
0x7a: {  	v45 =	vunpack.i.l.bf16.f32 v38;
	v46 =	vunpack.i.l.bf16.f32 v12  }
0x7b: {  	v2 =	vor.u32 v2, v5;
	v47 =	vmul.f32 v46, v45;
	v3 =	vsub.f32 v3, v44  }
0x7c: {  	v48 =	vld.idx.msk [tilespmem:v6+s13+$0x0], $0xffff;
	v49 =	vunpack.i.u.bf16.f32 v38;
	v50 =	vunpack.i.u.bf16.f32 v12  }
0x7d: {  	v6 =	vld.idx.msk [tilespmem:v6+s14+$0x0], $0xffff;
	v51 =	vmul.f32 v50, v49;
	v3 =	vsub.f32 v3, v47  }
0x7e: {  	v52 =	vunpack.i.l.bf16.f32 v43;
	v53 =	vunpack.i.l.bf16.f32 v7  }
0x7f: {  	v54 =	vmul.f32 v53, v52;
	v3 =	vsub.f32 v3, v51  }
0x80: {  	v55 =	vld.idx.msk [tilespmem:v2+s13+$0x0], $0xffff;
	v9 =	vunpack.i.u.bf16.f32 v43;
	v7 =	vunpack.i.u.bf16.f32 v7  }
0x81: {  	v2 =	vld.idx.msk [tilespmem:v2+s14+$0x0], $0xffff;
	v56 =	vmul.f32 v7, v9;
	v3 =	vsub.f32 v3, v54  }
0x82: {  	v57 =	vunpack.i.l.bf16.f32 v48;
	v58 =	vunpack.i.l.bf16.f32 v6  }
0x83: {  	v59 =	vmul.f32 v58, v57;
	v3 =	vsub.f32 v3, v56  }
0x84: {  	v4 =	vunpack.i.u.bf16.f32 v48;
	v6 =	vunpack.i.u.bf16.f32 v6  }
0x85: {  	v4 =	vmul.f32 v6, v4;
	v3 =	vsub.f32 v3, v59  }
0x86: {  	v60 =	vunpack.i.l.bf16.f32 v55;
	v61 =	vunpack.i.l.bf16.f32 v2  }
0x87: {  	s22 =	sadd.s32 $0x1, s22;
	v62 =	vmul.f32 v61, v60;
	v3 =	vsub.f32 v3, v4  }
0x88: {  	p0 =	sne.s32 s22, $0x20;
	v63 =	vunpack.i.u.bf16.f32 v55;
	v2 =	vunpack.i.u.bf16.f32 v2  }
.Ltmp4:
0x89: {  	v2 =	vmul.f32 v2, v63;
	v3 =	vsub.f32 v3, v62;
	(pc) =	sbr.rel @p0 .LBB2_8-.Ltmp4, $3  }
0x8a: {  	_ = 	snop  }
0x8b: {  	v2 =	vsub.f32 v3, v2;
	_ =	sdelay $0x1  }
0x8c: {  	[tilespmem:s23+$0xEE00] =	vst v2  }
0x8d: {  	_ =	swait.ge [sflag:s17], $0xA000  }
0x8e: {  	[sflag:s17] =	ssyncset.done $0x0  }
0x8f: {  	s21 =	simm.s32 $0x0;
	s22 =	simm.s32 $0x0;
	[sflag:s17] =	ssyncadd.s32 $0xFFFF6000  }
.LBB2_12:
0x90: {  	s24 =	simm.s32 $0x1  }
0x91: {  	s23 =	sshll.u32 s22, $0x4;
	v2 =	vmov s24  }
0x92: {  	v7 =	vor.u32 s23, v0;
	v3 =	vand.u32 $0xD, v2  }
0x93: {  	v2 =	vmul.u32 $0x50, v7;
	v8 =	vbroadcast v3, $0x0  }
0x94: {  	s30 =	simm.s32 $0x2  }
0x95: {  	v5 =	vmov s30;
	v3 =	vadd.s32 $0x40, v2;
	v9 =	vor.u32 v2, v8  }
0x96: {  	v6 =	vand.u32 $0xE, v5;
	v4 =	vadd.s32 $0x10, v2;
	v10 =	vor.u32 v3, v8  }
0x97: {  	v12 =	vbroadcast v6, $0x0;
	v5 =	vadd.s32 $0x30, v2;
	v11 =	vor.u32 v4, v8  }
0x98: {  	v13 =	vor.u32 v5, v8  }
0x99: {  	v17 =	vor.u32 v3, v12  }
0x9a: {  	v14 =	vor.u32 v5, v12;
	v9 =	vld.idx.msk [tilespmem:v9+s16+$0x0], $0xffff  }
0x9b: {  	v6 =	vadd.s32 $0x20, v2;
	v16 =	vor.u32 v4, v12;
	v18 =	vld.idx.msk [tilespmem:v10+s16+$0x0], $0xffff  }
0x9c: {  	v7 =	vshll.u32 v7, $0x4;
	v15 =	vor.u32 v6, v12;
	v28 =	vld.idx.msk [tilespmem:v11+s16+$0x0], $0xffff  }
0x9d: {  	s31 =	simm.s32 $0x3;
	v22 =	vmov s21;
	v23 =	vor.u32 v6, v8;
	v8 =	vor.u32 v7, v8;
	v13 =	vld.idx.msk [tilespmem:v13+s16+$0x0], $0xffff  }
0x9e: {  	v10 =	vmov s31;
	v11 =	vor.u32 v2, v12;
	v29 =	vld.idx.msk [tilespmem:v17+s16+$0x0], $0xffff;
	v17 =	vand.u32 $0xC, v22  }
0x9f: {  	v12 =	vor.u32 v7, v12;
	v14 =	vld.idx.msk [tilespmem:v14+s16+$0x0], $0xffff;
	v10 =	vand.u32 $0xF, v10;
	v24 =	vbroadcast v17, $0x0  }
0xa0: {  	v21 =	vld.idx.msk [tilespmem:v16+s16+$0x0], $0xffff;
	v10 =	vbroadcast v10, $0x0  }
0xa1: {  	v15 =	vld.idx.msk [tilespmem:v15+s16+$0x0], $0xffff;
	v33 =	vor.u32 v4, v24;
	v36 =	vor.u32 v6, v24;
	v37 =	vor.u32 v3, v24  }
0xa2: {  	v39 =	vld.idx.msk [tilespmem:v23+s16+$0x0], $0xffff;
	v19 =	vor.u32 v7, v10;
	v20 =	vor.u32 v4, v10;
	v16 =	vor.u32 v6, v10  }
0xa3: {  	v38 =	vld.idx.msk [tilespmem:v8+s13+$0x0], $0xffff;
	v22 =	vor.u32 v5, v10;
	v32 =	vor.u32 v3, v10;
	v10 =	vor.u32 v2, v10  }
0xa4: {  	v26 =	vld.idx.msk [tilespmem:v12+s13+$0x0], $0xffff;
	v12 =	vimm.f32 $0.0e+00;
	v30 =	vunpack.i.u.bf16.f32 v9;
	v41 =	vunpack.i.l.bf16.f32 v9  }
0xa5: {  	v11 =	vld.idx.msk [tilespmem:v11+s16+$0x0], $0xffff;
	v9 =	vor.u32 v7, v24;
	v34 =	vunpack.i.l.bf16.f32 v14;
	v23 =	vunpack.i.u.bf16.f32 v21  }
0xa6: {  	v42 =	vunpack.i.u.bf16.f32 v15;
	v25 =	vunpack.i.l.bf16.f32 v15;
	v43 =	vunpack.i.u.bf16.f32 v14;
	v37 =	vld.idx.msk [tilespmem:v37+s16+$0x0], $0xffff  }
0xa7: {  	v40 =	vunpack.i.u.bf16.f32 v29;
	v14 =	vunpack.i.l.bf16.f32 v21;
	v52 =	vunpack.i.l.bf16.f32 v13;
	v62 =	vld.idx.msk [tilespmem:v33+s16+$0x0], $0xffff  }
0xa8: {  	v47 =	vunpack.i.l.bf16.f32 v28;
	v51 =	vunpack.i.l.bf16.f32 v39;
	v53 =	vunpack.i.u.bf16.f32 v13;
	v35 =	vld.idx.msk [tilespmem:v19+s13+$0x0], $0xffff  }
0xa9: {  	v54 =	vunpack.i.u.bf16.f32 v38;
	v55 =	vunpack.i.l.bf16.f32 v38;
	v39 =	vunpack.i.u.bf16.f32 v39;
	v27 =	vld.idx.msk [tilespmem:v20+s16+$0x0], $0xffff  }
0xaa: {  	v51 =	vmul.f32 v51, v55;
	v19 =	vunpack.i.l.bf16.f32 v18;
	v20 =	vor.u32 v2, v24;
	v31 =	vld.idx.msk [tilespmem:v16+s16+$0x0], $0xffff  }
0xab: {  	v17 =	vld.idx.msk [tilespmem:v22+s16+$0x0], $0xffff;
	v24 =	vor.u32 v5, v24;
	v16 =	vunpack.i.l.bf16.f32 v11;
	v45 =	vunpack.i.u.bf16.f32 v11  }
0xac: {  	v48 =	vld.idx.msk [tilespmem:v10+s16+$0x0], $0xffff;
	v46 =	vunpack.i.u.bf16.f32 v26;
	v21 =	vunpack.i.l.bf16.f32 v26;
	v33 =	vmul.f32 v19, v55  }
0xad: {  	v15 =	vld.idx.msk [tilespmem:v9+s13+$0x0], $0xffff;
	v11 =	vunpack.i.u.bf16.f32 v18;
	v18 =	vmul.f32 v40, v46;
	v26 =	vmul.f32 v42, v46  }
0xae: {  	v50 =	vld.idx.msk [tilespmem:v36+s16+$0x0], $0xffff;
	v40 =	vunpack.i.u.bf16.f32 v37;
	v19 =	vunpack.i.l.bf16.f32 v37;
	v60 =	vunpack.i.u.bf16.f32 v62  }
0xaf: {  	v9 =	vunpack.i.l.bf16.f32 v35;
	v44 =	vld.idx.msk [tilespmem:v20+s16+$0x0], $0xffff;
	v22 =	vunpack.i.u.bf16.f32 v27;
	v20 =	vunpack.i.l.bf16.f32 v31  }
0xb0: {  	v10 =	vunpack.i.u.bf16.f32 v31;
	v8 =	vunpack.i.l.bf16.f32 v17;
	v13 =	vunpack.i.l.bf16.f32 v27  }
0xb1: {  	v27 =	vmul.f32 v11, v54;
	v36 =	vunpack.i.u.bf16.f32 v48;
	v8 =	vmul.f32 v8, v9  }
0xb2: {  	v31 =	vunpack.i.l.bf16.f32 v15;
	v11 =	vmul.f32 v13, v9;
	v13 =	vmul.f32 v23, v46  }
0xb3: {  	v38 =	vld.idx.msk [tilespmem:v32+s16+$0x0], $0xffff;
	v37 =	vunpack.i.u.bf16.f32 v15;
	v15 =	vunpack.i.l.bf16.f32 v50;
	v63 =	vmul.f32 v19, v31  }
0xb4: {  	v49 =	vld.idx.msk [tilespmem:v24+s16+$0x0], $0xffff;
	v23 =	vunpack.i.u.bf16.f32 v50;
	v19 =	vmul.f32 v34, v21;
	v50 =	vmul.f32 v15, v31  }
0xb5: {  	v24 =	vunpack.i.l.bf16.f32 v48;
	v15 =	vmul.f32 v43, v46;
	v58 =	vmul.f32 v23, v37  }
0xb6: {  	v35 =	vunpack.i.u.bf16.f32 v35;
	v23 =	vmul.f32 v45, v46;
	v42 =	vmul.f32 v60, v37  }
0xb7: {  	v45 =	vunpack.i.l.bf16.f32 v62;
	v34 =	vmul.f32 v53, v54;
	v62 =	vmul.f32 v39, v54  }
0xb8: {  	v39 =	vmul.f32 v30, v54;
	v30 =	vmul.f32 v47, v55;
	v61 =	vadd.f32 v50, v12  }
0xb9: {  	v47 =	vunpack.i.l.bf16.f32 v38;
	v50 =	vunpack.i.l.bf16.f32 v29;
	v57 =	vunpack.i.l.bf16.f32 v49  }
0xba: {  	v56 =	vunpack.i.l.bf16.f32 v44;
	v29 =	vmul.f32 v57, v31;
	v32 =	vadd.f32 v61, v58  }
0xbb: {  	v43 =	vunpack.i.u.bf16.f32 v49;
	v49 =	vadd.f32 v63, v12;
	v63 =	vunpack.i.u.bf16.f32 v28  }
0xbc: {  	v28 =	vmul.f32 v41, v55;
	v46 =	vadd.f32 v29, v12;
	v29 =	vadd.f32 v51, v32  }
0xbd: {  	v44 =	vunpack.i.u.bf16.f32 v44;
	v48 =	vmul.f32 v56, v31;
	v41 =	vmul.f32 v63, v54  }
0xbe: {  	s24 =	simm.s32 $0x4;
	v32 =	vmul.f32 v52, v55;
	v51 =	vadd.f32 v29, v62;
	v29 =	vimm.f32 $0.0e+00  }
.LBB2_13:
0xbf: {  	s26 =	sadd.s32 $0x1, s24  }
0xc0: {  	p0 =	sne.s32 s24, $0xC;
	v52 =	vmul.f32 v25, v21;
	v50 =	vmul.f32 v50, v21;
	v17 =	vunpack.i.u.bf16.f32 v17;
	s25 =	smov.u32 s24;
	s24 =	sadd.s32 $0x4, s24  }
0xc1: {  	v44 =	vmul.f32 v44, v37;
	v16 =	vmul.f32 v16, v21;
	v25 =	vmov s26  }
0xc2: {  	v40 =	vmul.f32 v40, v37;
	v53 =	vand.u32 $0xD, v25;
	v25 =	vmul.f32 v36, v35  }
0xc3: {  	v22 =	vmul.f32 v22, v35;
	s26 =	sadd.s32 $0x2, s25;
	v51 =	vadd.f32 v52, v51;
	v36 =	vbroadcast v53, $0x0  }
0xc4: {  	v20 =	vmul.f32 v20, v9;
	v52 =	vmov s26;
	v40 =	vadd.f32 v49, v40  }
0xc5: {  	v38 =	vunpack.i.u.bf16.f32 v38;
	v17 =	vmul.f32 v17, v35;
	v49 =	vor.u32 v2, v36  }
0xc6: {  	v47 =	vmul.f32 v47, v9;
	v38 =	vmul.f32 v38, v35;
	v53 =	vor.u32 v7, v36  }
0xc7: {  	v31 =	vmul.f32 v45, v31;
	v33 =	vadd.f32 v33, v40;
	v54 =	vor.u32 v3, v36  }
0xc8: {  	v37 =	vmul.f32 v43, v37;
	v14 =	vmul.f32 v14, v21;
	v40 =	vor.u32 v5, v36  }
0xc9: {  	v12 =	vadd.f32 v48, v12;
	v21 =	vor.u32 v6, v36;
	v27 =	vadd.f32 v33, v27  }
0xca: {  	v29 =	vadd.f32 v31, v29;
	v31 =	vadd.f32 v46, v37;
	v36 =	vor.u32 v4, v36;
	v33 =	vld.idx.msk [tilespmem:v49+s16+$0x0], $0xffff  }
0xcb: {  	v12 =	vadd.f32 v12, v44;
	v37 =	vand.u32 $0xE, v52;
	v26 =	vadd.f32 v51, v26  }
0xcc: {  	s26 =	sadd.s32 $0x3, s25;
	v37 =	vbroadcast v37, $0x0;
	v29 =	vadd.f32 v29, v42;
	v27 =	vadd.f32 v50, v27;
	v43 =	vld.idx.msk [tilespmem:v54+s16+$0x0], $0xffff  }
0xcd: {  	v42 =	vmov s26;
	v12 =	vadd.f32 v28, v12;
	v31 =	vadd.f32 v32, v31  }
0xce: {  	v44 =	vor.u32 v7, v37;
	v45 =	vor.u32 v6, v37;
	v18 =	vadd.f32 v27, v18  }
0xcf: {  	v46 =	vor.u32 v5, v37;
	v29 =	vadd.f32 v30, v29;
	v27 =	vor.u32 v4, v37  }
0xd0: {  	v9 =	vmul.f32 v24, v9;
	v30 =	vunpack.i.u.bf16.f32 v33;
	v28 =	vunpack.i.l.bf16.f32 v33  }
0xd1: {  	v24 =	vor.u32 v3, v37;
	v18 =	vadd.f32 v47, v18;
	v33 =	vand.u32 $0xF, v42  }
0xd2: {  	v20 =	vadd.f32 v20, v26;
	v37 =	vor.u32 v2, v37;
	v32 =	vld.idx.msk [tilespmem:v36+s16+$0x0], $0xffff;
	v36 =	vunpack.i.l.bf16.f32 v43  }
0xd3: {  	v12 =	vadd.f32 v12, v39;
	v39 =	vadd.f32 v18, v38;
	v33 =	vbroadcast v33, $0x0;
	v26 =	vld.idx.msk [tilespmem:v40+s16+$0x0], $0xffff  }
0xd4: {  	v10 =	vmul.f32 v10, v35;
	v31 =	vadd.f32 v31, v34;
	v29 =	vadd.f32 v29, v41;
	v18 =	vld.idx.msk [tilespmem:v46+s16+$0x0], $0xffff  }
0xd5: {  	v12 =	vadd.f32 v16, v12;
	v35 =	vor.u32 v7, v33;
	v38 =	vor.u32 v4, v33;
	v34 =	vld.idx.msk [tilespmem:v45+s16+$0x0], $0xffff  }
0xd6: {  	v19 =	vadd.f32 v19, v31;
	v16 =	vor.u32 v6, v33;
	v41 =	vor.u32 v3, v33;
	v27 =	vld.idx.msk [tilespmem:v27+s16+$0x0], $0xffff  }
0xd7: {  	v31 =	vmov s25;
	v12 =	vadd.f32 v12, v23;
	v14 =	vadd.f32 v14, v29;
	v46 =	vld.idx.msk [tilespmem:v24+s16+$0x0], $0xffff  }
0xd8: {  	v23 =	vand.u32 $0xC, v31;
	v15 =	vadd.f32 v19, v15;
	v29 =	vor.u32 v5, v33;
	v24 =	vld.idx.msk [tilespmem:v37+s16+$0x0], $0xffff  }
0xd9: {  	v19 =	vbroadcast v23, $0x0;
	v13 =	vadd.f32 v14, v13;
	v9 =	vadd.f32 v9, v12;
	v23 =	vld.idx.msk [tilespmem:v44+s13+$0x0], $0xffff  }
0xda: {  	v47 =	vadd.f32 v20, v10;
	v8 =	vadd.f32 v8, v15;
	v42 =	vunpack.i.l.bf16.f32 v18;
	v35 =	vld.idx.msk [tilespmem:v35+s13+$0x0], $0xffff  }
0xdb: {  	v10 =	vor.u32 v7, v19;
	v14 =	vor.u32 v2, v19;
	v11 =	vadd.f32 v11, v13;
	v15 =	vld.idx.msk [tilespmem:v38+s16+$0x0], $0xffff  }
0xdc: {  	v13 =	vor.u32 v4, v19;
	v51 =	vadd.f32 v8, v17;
	v37 =	vor.u32 v6, v19;
	v31 =	vld.idx.msk [tilespmem:v16+s16+$0x0], $0xffff  }
0xdd: {  	v8 =	vor.u32 v3, v19;
	v33 =	vor.u32 v2, v33;
	v17 =	vld.idx.msk [tilespmem:v29+s16+$0x0], $0xffff;
	v29 =	vadd.f32 v11, v22  }
0xde: {  	v12 =	vadd.f32 v9, v25;
	v38 =	vunpack.i.u.bf16.f32 v27;
	v16 =	vunpack.i.l.bf16.f32 v24;
	v52 =	vld.idx.msk [tilespmem:v21+s16+$0x0], $0xffff  }
0xdf: {  	v44 =	vunpack.i.u.bf16.f32 v34;
	v25 =	vunpack.i.l.bf16.f32 v34;
	v11 =	vor.u32 v5, v19;
	v19 =	vld.idx.msk [tilespmem:v53+s13+$0x0], $0xffff  }
0xe0: {  	v45 =	vunpack.i.u.bf16.f32 v18;
	v18 =	vunpack.i.u.bf16.f32 v46;
	v9 =	vunpack.i.l.bf16.f32 v35;
	v34 =	vld.idx.msk [tilespmem:v10+s13+$0x0], $0xffff  }
0xe1: {  	v49 =	vunpack.i.u.bf16.f32 v24;
	v22 =	vunpack.i.u.bf16.f32 v15;
	v48 =	vld.idx.msk [tilespmem:v14+s16+$0x0], $0xffff;
	v14 =	vunpack.i.l.bf16.f32 v27  }
0xe2: {  	v50 =	vunpack.i.u.bf16.f32 v23;
	v53 =	vunpack.i.l.bf16.f32 v26;
	v20 =	vunpack.i.l.bf16.f32 v31;
	v24 =	vld.idx.msk [tilespmem:v8+s16+$0x0], $0xffff  }
0xe3: {  	v54 =	vunpack.i.l.bf16.f32 v32;
	v21 =	vunpack.i.l.bf16.f32 v23;
	v10 =	vunpack.i.u.bf16.f32 v31;
	v23 =	vld.idx.msk [tilespmem:v33+s16+$0x0], $0xffff  }
0xe4: {  	v57 =	vunpack.i.u.bf16.f32 v26;
	v8 =	vunpack.i.l.bf16.f32 v17;
	v56 =	vunpack.i.l.bf16.f32 v52;
	v55 =	vld.idx.msk [tilespmem:v11+s16+$0x0], $0xffff  }
0xe5: {  	v8 =	vmul.f32 v8, v9;
	v58 =	vunpack.i.u.bf16.f32 v19;
	v11 =	vunpack.i.u.bf16.f32 v43  }
0xe6: {  	v15 =	vunpack.i.l.bf16.f32 v15;
	v59 =	vunpack.i.l.bf16.f32 v19;
	v31 =	vunpack.i.l.bf16.f32 v34;
	v43 =	vld.idx.msk [tilespmem:v37+s16+$0x0], $0xffff  }
0xe7: {  	v18 =	vmul.f32 v18, v50;
	v27 =	vmul.f32 v11, v58  }
0xe8: {  	v26 =	vmul.f32 v44, v50;
	v33 =	vmul.f32 v36, v59;
	v40 =	vunpack.i.u.bf16.f32 v24;
	v60 =	vld.idx.msk [tilespmem:v13+s16+$0x0], $0xffff  }
0xe9: {  	v11 =	vmul.f32 v15, v9;
	v61 =	vunpack.i.l.bf16.f32 v48;
	v36 =	vunpack.i.u.bf16.f32 v23  }
0xea: {  	v15 =	vunpack.i.l.bf16.f32 v24;
	v13 =	vmul.f32 v38, v50;
	v62 =	vunpack.i.l.bf16.f32 v55  }
0xeb: {  	v37 =	vunpack.i.u.bf16.f32 v34;
	v44 =	vunpack.i.u.bf16.f32 v48;
	v24 =	vunpack.i.l.bf16.f32 v23  }
0xec: {  	v19 =	vmul.f32 v42, v21;
	v34 =	vmul.f32 v15, v31;
	v23 =	vunpack.i.l.bf16.f32 v43  }
0xed: {  	v15 =	vmul.f32 v45, v50;
	v38 =	vunpack.i.u.bf16.f32 v43;
	v42 =	vmul.f32 v23, v31  }
0xee: {  	v63 =	vmul.f32 v38, v37;
	v23 =	vmul.f32 v49, v50;
	v48 =	vunpack.i.u.bf16.f32 v60;
	v38 =	vld.idx.msk [tilespmem:v41+s16+$0x0], $0xffff  }
0xef: {  	v43 =	vunpack.i.u.bf16.f32 v55;
	v45 =	vunpack.i.l.bf16.f32 v60;
	v41 =	vadd.f32 v42, v47  }
0xf0: {  	v49 =	vadd.f32 v34, v39;
	v50 =	vunpack.i.l.bf16.f32 v46;
	v42 =	vmul.f32 v48, v37  }
0xf1: {  	v47 =	vmul.f32 v56, v59;
	v39 =	vadd.f32 v41, v63;
	v41 =	vmul.f32 v62, v31  }
.Ltmp5:
0xf2: {  	v52 =	vunpack.i.u.bf16.f32 v52;
	v34 =	vmul.f32 v57, v58;
	v48 =	vmul.f32 v61, v31;
	(pc) =	sbr.rel @p0 .LBB2_13-.Ltmp5, $4  }
0xf3: {  	v46 =	vadd.f32 v41, v51;
	v41 =	vadd.f32 v47, v39;
	v51 =	vmul.f32 v52, v58  }
0xf4: {  	v39 =	vmul.f32 v30, v58;
	v30 =	vmul.f32 v54, v59;
	v47 =	vunpack.i.l.bf16.f32 v38  }
0xf5: {  	v52 =	vunpack.i.u.bf16.f32 v32;
	v32 =	vmul.f32 v53, v59;
	v51 =	vadd.f32 v41, v51  }
0xf6: {  	v35 =	vunpack.i.u.bf16.f32 v35;
	v28 =	vmul.f32 v28, v59;
	v41 =	vmul.f32 v52, v58  }
0xf7: {  	v2 =	vmul.f32 v45, v31  }
0xf8: {  	v3 =	vmul.f32 v44, v37;
	v4 =	vmul.f32 v40, v37;
	v5 =	vadd.f32 v48, v12  }
0xf9: {  	v6 =	vmul.f32 v25, v21;
	v54 =	vmul.f32 v43, v37;
	v2 =	vadd.f32 v2, v29  }
0xfa: {  	v4 =	vadd.f32 v49, v4;
	v3 =	vadd.f32 v5, v3  }
0xfb: {  	v53 =	vadd.f32 v6, v51;
	v6 =	vadd.f32 v46, v54  }
0xfc: {  	v7 =	vmul.f32 v50, v21;
	v2 =	vadd.f32 v2, v42;
	v4 =	vadd.f32 v33, v4  }
0xfd: {  	v55 =	vunpack.i.u.bf16.f32 v17;
	v3 =	vadd.f32 v28, v3;
	v6 =	vadd.f32 v32, v6  }
0xfe: {  	v16 =	vmul.f32 v16, v21;
	v5 =	vadd.f32 v53, v26;
	v2 =	vadd.f32 v30, v2  }
0xff: {  	v59 =	vmul.f32 v20, v9;
	v4 =	vadd.f32 v4, v27;
	v3 =	vadd.f32 v3, v39  }
0x100: {  	v14 =	vmul.f32 v14, v21;
	v6 =	vadd.f32 v6, v34;
	v2 =	vadd.f32 v2, v41  }
0x101: {  	v56 =	vmul.f32 v36, v35;
	v5 =	vadd.f32 v59, v5;
	v3 =	vadd.f32 v16, v3  }
0x102: {  	v61 =	vmul.f32 v10, v35;
	v4 =	vadd.f32 v7, v4;
	v2 =	vadd.f32 v14, v2  }
0x103: {  	v58 =	vmul.f32 v24, v9;
	v6 =	vadd.f32 v19, v6;
	v3 =	vadd.f32 v3, v23  }
0x104: {  	v57 =	vmul.f32 v22, v35;
	v5 =	vadd.f32 v5, v61;
	v2 =	vadd.f32 v2, v13  }
0x105: {  	v60 =	vmul.f32 v47, v9;
	v6 =	vadd.f32 v6, v15;
	v3 =	vadd.f32 v58, v3  }
0x106: {  	v62 =	vunpack.i.u.bf16.f32 v38;
	s22 =	sadd.s32 $0x1, s22;
	v4 =	vadd.f32 v4, v18;
	v2 =	vadd.f32 v11, v2  }
0x107: {  	v12 =	vmul.f32 v55, v35;
	p0 =	sne.s32 s22, $0x20;
	v6 =	vadd.f32 v8, v6;
	v3 =	vadd.f32 v3, v56  }
.Ltmp6:
0x108: {  	v63 =	vmul.f32 v62, v35;
	[tilespmem:s23+$0xF400] =	vst v5;
	v4 =	vadd.f32 v60, v4;
	v2 =	vadd.f32 v2, v57;
	(pc) =	sbr.rel @p0 .LBB2_12-.Ltmp6, $4  }
0x109: {  	[tilespmem:s23+$0xF000] =	vst v3;
	v3 =	vadd.f32 v6, v12  }
0x10a: {  	[tilespmem:s23+$0xF200] =	vst v2;
	v2 =	vadd.f32 v4, v63  }
0x10b: {  	[tilespmem:s23+$0xF600] =	vst v3  }
0x10c: {  	[tilespmem:s23+$0xF800] =	vst v2  }
0x10d: {  	s20 =	sadd.s32 $0x1, s20  }
0x10e: {  	p0 =	sne.s32 s20, s9  }
.Ltmp7:
0x10f: {  	_ = 	snop;
	(pc) =	sbr.rel @p0 .LBB2_1-.Ltmp7, $4  }
0x110: {  	[hbm4b:s8+s2] =	stream.linear.scatter [tilespmem:s18], [sflag:$0x3], $0xC00, $0x38;
	[tilespmem:$0xFA00] =	vst v63  }
0x111: {  	_ =	swait.ge [sflag:s19], $0xC00  }
0x112: {  	[sflag:s19] =	ssyncset.done $0x0  }
0x113: {  	[sflag:s19] =	ssyncadd.s32 $0xFFFFF400  }
0x114: {  	_ =	sfence.sel $0x180000  }
0x115: {  	[bflag:$0x0] =	sbarrier.arrive $0xFFFF  }
0x116: {  	p0 =	sne.s32 s0, $0x0;
	_ =	strace $0x90000047  }
0x117: {  	s0 =	sadd.s32 @!p0 $0x100000, s1;
	[bflag:$0x2] =	sbarrier.arrive $0xFFFF  }
0x118: {  	[sflag:s0] =	ssyncadd.tile.s32 @!p0 $0x1;
	_ =	shalt  }
.Lfunc_end2:
_tile_overlayer_lowered:
.L_overlay_start_2:
0x119: {  	(tag) =	ssettag $0x2  }
0x11a: {  	s0 =	rddreg [dreg:$0x0];
	s2 =	stileid.u32  }
0x11b: {  	s1 =	rddreg [dreg:$0x1];
	p0 =	sne.s32 s2, $0x0  }
0x11c: {  	s3 =	rddreg [dreg:$0x2];
	[bflag:$0x3] =	sbarrier.arrive $0xFFFF;
	s2 =	simm.s32 @!p0 $0x1C03  }
0x11d: {  	[timem:s3], [sflag:s2] =	dma.local @!p0 [hbm:s0], s1  }
0x11e: {  	s0 =	simm.s32 @!p0 $0x3  }
0x11f: {  	_ =	swait.ge @!p0 [sflag:s0], s1  }
0x120: {  	s1 =	ssub.s32 @!p0 $0x0, s1;
	[sflag:s0] =	ssyncset.done @!p0 $0x0  }
0x121: {  	[sflag:s0] =	ssyncadd.s32 @!p0 s1  }
0x122: {  	[bflag:$0x3] =	sbarrier.arrive $0xFFFF  }
0x123: {  	_ =	shalt  }

</sc_bundles>
